<compile_context>
chip_gen: v7x
topology: tpu7x:2x2x1
jax: 0.10.2.dev20260603
libtpu: 0.0.44.dev20260713+nightly
codegen_flags: <defaults>
</compile_context>

<pallas_src>
import functools

import jax
import jax.numpy as jnp
from jax import lax
from jax.experimental import pallas as pl
from jax.experimental.pallas import tpu as pltpu
from jax.experimental.pallas import tpu_sc as plsc

_LANES = 16
_NW = 32
_BB = 128

def _build_sc(vocab, maxlen, embed, batch):
  lblk = maxlen // 8
  eblk = embed // 8
  nbat = batch // _BB
  jv = _BB // _LANES

  mesh = plsc.VectorSubcoreMesh(core_axis_name="c", subcore_axis_name="s")
  nc = 2

  @functools.partial(
      pl.kernel,
      mesh=mesh,
      out_type=jax.ShapeDtypeStruct((maxlen * eblk, nbat, 8, _BB),
                                    jnp.float32),
      compiler_params=pltpu.CompilerParams(use_tc_tiling_on_sc=False,
                                           needs_layout_passes=False),
      scratch_types=[
          pltpu.VMEM((lblk, 8, _BB), jnp.int32),
          pltpu.VMEM((_BB, embed), jnp.float32),
          pltpu.VMEM((_BB, embed), jnp.float32),
          pltpu.VMEM((eblk, 8, _BB), jnp.float32),
          pltpu.VMEM((eblk, 8, _BB), jnp.float32),
          pltpu.VMEM((maxlen, embed), jnp.float32),
          pltpu.SemaphoreType.DMA,
          pltpu.SemaphoreType.DMA,
      ],
  )
  def emb(xq_hbm, tok_hbm, pos_hbm, out_hbm, idx_v, rows0, rows1, stg0, stg1,
          pos_v, gsem, osem):
    wid = lax.axis_index("s") * nc + lax.axis_index("c")
    rows = (rows0, rows1)
    stgs = (stg0, stg1)

    pltpu.sync_copy(xq_hbm.at[:, wid], idx_v)
    pltpu.sync_copy(pos_hbm, pos_v)

    def gather_desc(l, buf):
      return pltpu.make_async_copy(
          tok_hbm.at[idx_v.at[lax.div(l, 8), lax.rem(l, 8)]], buf, gsem)

    def store_desc(l, stg):
      return pltpu.make_async_copy(stg, out_hbm.at[pl.ds(l * eblk, eblk), wid],
                                   osem)

    gather_desc(0, rows[0]).start()
    iota = lax.iota(jnp.int32, _LANES)

    def pair_body(g, carry):
      for b in range(2):
        l = g * 2 + b
        buf, stg = rows[b], stgs[b]

        gather_desc(l, buf).wait()

        @pl.when(l + 1 < maxlen)
        def _():
          gather_desc(l + 1, rows[b ^ 1]).start()

        @pl.when(l >= 2)
        def _():
          store_desc(l - 2, stg).wait()

        lsplat = jnp.full((_LANES,), l, jnp.int32)

        @plsc.parallel_loop(0, (embed // _LANES) * _LANES, 1, unroll=4)
        def tr_body(t):
          q = lax.shift_right_logical(t, 4)
          d = t & (_LANES - 1)
          ecol = q * _LANES + ((iota + d) & (_LANES - 1))
          p = plsc.load_gather(pos_v, [lsplat, ecol])
          er = lax.shift_right_logical(ecol, 3)
          rr = ecol & 7
          for j in range(jv):
            rowsel = iota + (j * _LANES)
            vals = plsc.load_gather(buf, [rowsel, ecol])
            plsc.store_scatter(stg, [er, rr, rowsel], vals + p)

        store_desc(l, stg).start()
      return carry

    lax.fori_loop(0, maxlen // 2, pair_body, 0)
    store_desc(maxlen - 2, stgs[0]).wait()
    store_desc(maxlen - 1, stgs[1]).wait()

  return emb


def kernel(x, token_table, pos_table):
  batch, maxlen = x.shape
  vocab, embed = token_table.shape
  xq = (x.astype(jnp.int32).T
        .reshape(maxlen // 8, 8, batch // _BB, _BB)
        .transpose(0, 2, 1, 3))
  tok = jax.lax.optimization_barrier(
      token_table.reshape(vocab // 2, 2 * embed)).reshape(vocab, embed)
  emb = _build_sc(vocab, maxlen, embed, batch)
  out4 = emb(xq, tok, pos_table)
  out = (out4.reshape(maxlen, embed // 8, batch // _BB, 8, _BB)
         .transpose(2, 4, 0, 1, 3)
         .reshape(batch, maxlen, embed))
  return out

# --- scband reference (transcript-rebuilt; emitter-appended) ---
"""Pipeline reference for scband-token-and-position-embedding-13288628814001 (READ-ONLY COPY).

The authoritative reference and input builder live on the scoring server;
editing this copy changes nothing except your own understanding.
"""

import jax, jax.numpy as jnp
import numpy as np

VOCAB = 1000000
MAXLEN = 200
EMBED = 64
BATCH = 4096

def setup_inputs(seed: int = 0) -> dict:
    key = jax.random.key(seed)
    k1, k2, k3 = jax.random.split(key, 3)
    x = jax.random.randint(k1, (BATCH, MAXLEN), 0, VOCAB, dtype=jnp.int64 if jax.config.jax_enable_x64 else jnp.int32)
    token_table = jax.random.normal(k2, (VOCAB, EMBED), dtype=jnp.float32) * 0.02
    pos_table = jax.random.normal(k3, (MAXLEN, EMBED), dtype=jnp.float32) * 0.02
    return {"x": x, "token_table": token_table, "pos_table": pos_table}

def reference(x, token_table, pos_table):
    # token embedding: gather rows of token_table by x -> [B, L, E]
    tok = jnp.take(token_table, x, axis=0)
    # positional embedding: positions = arange(maxlen) -> gather pos_table -> [L, E]
    maxlen = x.shape[-1]
    positions = jnp.arange(0, maxlen, 1)
    pos = jnp.take(pos_table, positions, axis=0)
    # broadcast add: [B, L, E] + [L, E]
    return tok + pos

if __name__ == "__main__":
    import jax
    _d = setup_inputs()
    print(jax.jit(kernel)(*tuple(_d.values())))

</pallas_src>

<mosaic_0001>
#map = affine_map<(d0, d1) -> (0, 0, 0, 0)>
#map1 = affine_map<(d0, d1) -> (0, 0)>
module attributes {stable_mosaic.version = 14 : i64} {
  func.func @emb(%arg0: i32, %arg1: i32, %arg2: memref<25x32x8x128xi32, #tpu.memory_space<hbm>>, %arg3: memref<1000000x64xf32, #tpu.memory_space<hbm>>, %arg4: memref<200x64xf32, #tpu.memory_space<hbm>>, %arg5: memref<1600x32x8x128xf32, #tpu.memory_space<hbm>>, %arg6: memref<25x8x128xi32, #tpu.memory_space<vmem>>, %arg7: memref<128x64xf32, #tpu.memory_space<vmem>>, %arg8: memref<128x64xf32, #tpu.memory_space<vmem>>, %arg9: memref<8x8x128xf32, #tpu.memory_space<vmem>>, %arg10: memref<8x8x128xf32, #tpu.memory_space<vmem>>, %arg11: memref<200x64xf32, #tpu.memory_space<vmem>>, %arg12: memref<!tpu.dma_semaphore, #tpu.memory_space<semaphore_mem>>, %arg13: memref<!tpu.dma_semaphore, #tpu.memory_space<semaphore_mem>>) attributes {dimension_semantics = [#tpu.dimension_semantics<core_parallel>, #tpu.dimension_semantics<subcore_parallel>], iteration_bounds = array<i64: 2, 16>, scalar_prefetch = 0 : i64, scratch_operands = 8 : i64, tpu.core_type = #tpu.core_type<sc_vector_subcore>, window_params = [{transform_indices = #map}, {transform_indices = #map1}, {transform_indices = #map1}, {transform_indices = #map}]} {
    %mul3A = arith.constant 2 : i32
    %mul3A_0 = arith.muli %arg1, %mul3A : i32
    %add3A = arith.addi %mul3A_0, %arg0 : i32
    "tpu.region"() ({
      %run_scoped3A = tpu.sem_alloc : memref<!tpu.dma_semaphore, #tpu.memory_space<semaphore_mem>>
      %dma_start3A_34 = arith.constant 0 : i32
      %dma_start3A_35 = arith.constant 0 : i32
      %dma_start3A_36 = arith.constant 0 : i32
      %dma_start3A_37 = tpu.memref_slice %arg2[%dma_start3A_34, %add3A, %dma_start3A_35, %dma_start3A_36] : memref<25x32x8x128xi32, #tpu.memory_space<hbm>> -> memref<25x1x8x128xi32, #tpu.memory_space<hbm>>
      %dma_start3A_38 = tpu.memref_squeeze %dma_start3A_37 : memref<25x1x8x128xi32, #tpu.memory_space<hbm>> -> memref<25x8x128xi32, #tpu.memory_space<hbm>>
      %dma_start3A_39 = arith.constant 0 : i32
      %dma_start3A_40 = arith.constant 0 : i32
      %dma_start3A_41 = arith.constant 0 : i32
      %dma_start3A_42 = tpu.memref_slice %arg2[%dma_start3A_39, %add3A, %dma_start3A_40, %dma_start3A_41] : memref<25x32x8x128xi32, #tpu.memory_space<hbm>> -> memref<25x1x8x128xi32, #tpu.memory_space<hbm>>
      %dma_start3A_43 = tpu.memref_squeeze %dma_start3A_42 : memref<25x1x8x128xi32, #tpu.memory_space<hbm>> -> memref<25x8x128xi32, #tpu.memory_space<hbm>>
      tpu.enqueue_dma source(%dma_start3A_43 : memref<25x8x128xi32, #tpu.memory_space<hbm>>) target(%arg6 : memref<25x8x128xi32, #tpu.memory_space<vmem>>) target_semaphore(%run_scoped3A : memref<!tpu.dma_semaphore, #tpu.memory_space<semaphore_mem>>)
      %dma_wait3A_44 = arith.constant 0 : i32
      %dma_wait3A_45 = arith.constant 0 : i32
      %dma_wait3A_46 = arith.constant 0 : i32
      %dma_wait3A_47 = tpu.memref_slice %arg2[%dma_wait3A_44, %add3A, %dma_wait3A_45, %dma_wait3A_46] : memref<25x32x8x128xi32, #tpu.memory_space<hbm>> -> memref<25x1x8x128xi32, #tpu.memory_space<hbm>>
      %dma_wait3A_48 = tpu.memref_squeeze %dma_wait3A_47 : memref<25x1x8x128xi32, #tpu.memory_space<hbm>> -> memref<25x8x128xi32, #tpu.memory_space<hbm>>
      %dma_wait3A_49 = arith.constant 0 : i32
      %dma_wait3A_50 = arith.constant 0 : i32
      %dma_wait3A_51 = arith.constant 0 : i32
      %dma_wait3A_52 = tpu.memref_slice %arg2[%dma_wait3A_49, %add3A, %dma_wait3A_50, %dma_wait3A_51] : memref<25x32x8x128xi32, #tpu.memory_space<hbm>> -> memref<25x1x8x128xi32, #tpu.memory_space<hbm>>
      %dma_wait3A_53 = tpu.memref_squeeze %dma_wait3A_52 : memref<25x1x8x128xi32, #tpu.memory_space<hbm>> -> memref<25x8x128xi32, #tpu.memory_space<hbm>>
      tpu.wait_dma2 semaphore(%run_scoped3A : memref<!tpu.dma_semaphore, #tpu.memory_space<semaphore_mem>>) src(%dma_wait3A_53 : memref<25x8x128xi32, #tpu.memory_space<hbm>>) dst(%arg6 : memref<25x8x128xi32, #tpu.memory_space<vmem>>)
      tpu.yield
    }) : () -> ()
    "tpu.region"() ({
      %run_scoped3A = tpu.sem_alloc : memref<!tpu.dma_semaphore, #tpu.memory_space<semaphore_mem>>
      tpu.enqueue_dma source(%arg4 : memref<200x64xf32, #tpu.memory_space<hbm>>) target(%arg11 : memref<200x64xf32, #tpu.memory_space<vmem>>) target_semaphore(%run_scoped3A : memref<!tpu.dma_semaphore, #tpu.memory_space<semaphore_mem>>)
      tpu.wait_dma2 semaphore(%run_scoped3A : memref<!tpu.dma_semaphore, #tpu.memory_space<semaphore_mem>>) src(%arg4 : memref<200x64xf32, #tpu.memory_space<hbm>>) dst(%arg11 : memref<200x64xf32, #tpu.memory_space<vmem>>)
      tpu.yield
    }) : () -> ()
    %div3A = arith.constant 0 : i32
    %div3A_1 = arith.constant 8 : i32
    %div3A_2 = arith.divsi %div3A, %div3A_1 : i32
    %rem3A = arith.constant 0 : i32
    %rem3A_3 = arith.constant 8 : i32
    %rem3A_4 = arith.remsi %rem3A, %rem3A_3 : i32
    %dma_start3A = arith.constant 0 : i32
    %dma_start3A_5 = tpu.memref_slice %arg6[%div3A_2, %rem3A_4, %dma_start3A] : memref<25x8x128xi32, #tpu.memory_space<vmem>> -> memref<1x1x128xi32, #tpu.memory_space<vmem>>
    %dma_start3A_6 = tpu.memref_squeeze %dma_start3A_5 : memref<1x1x128xi32, #tpu.memory_space<vmem>> -> memref<128xi32, #tpu.memory_space<vmem>>
    %dma_start3A_7 = arith.constant 0 : i32
    %dma_start3A_8 = arith.constant 0 : i32
    %dma_start3A_9 = tpu.memref_slice %arg3[%dma_start3A_7, %dma_start3A_8] : memref<1000000x64xf32, #tpu.memory_space<hbm>> -> memref<1000000x64xf32, #tpu.memory_space<hbm>>
    tpu.enqueue_indirect_dma source(%dma_start3A_9 : memref<1000000x64xf32, #tpu.memory_space<hbm>>) target(%arg7 : memref<128x64xf32, #tpu.memory_space<vmem>>) offsets(%dma_start3A_6 : memref<128xi32, #tpu.memory_space<vmem>>) semaphore(%arg12 : memref<!tpu.dma_semaphore, #tpu.memory_space<semaphore_mem>>)
    %iota3A = tpu.iota {dimensions = array<i32: 0>} : vector<16xi32>
    %scan3A = arith.constant 0 : i32
    %scan3A_10 = arith.constant 0 : i32
    %scan3A_11 = arith.constant 100 : i32
    %scan3A_12 = arith.addi %scan3A_10, %scan3A_11 : i32
    %scan3A_13 = arith.constant 1 : i32
    scf.for %scan3A_34 = %scan3A_10 to %scan3A_12 step %scan3A_13  : i32 {
      %mul3A_35 = arith.constant 2 : i32
      %mul3A_36 = arith.muli %scan3A_34, %mul3A_35 : i32
      %add3A_37 = arith.constant 0 : i32
      %add3A_38 = arith.addi %mul3A_36, %add3A_37 : i32
      %div3A_39 = arith.constant 8 : i32
      %div3A_40 = arith.divsi %add3A_38, %div3A_39 : i32
      %rem3A_41 = arith.constant 8 : i32
      %rem3A_42 = arith.remsi %add3A_38, %rem3A_41 : i32
      %dma_wait3A_43 = arith.constant 0 : i32
      %dma_wait3A_44 = tpu.memref_slice %arg6[%div3A_40, %rem3A_42, %dma_wait3A_43] : memref<25x8x128xi32, #tpu.memory_space<vmem>> -> memref<1x1x128xi32, #tpu.memory_space<vmem>>
      %dma_wait3A_45 = tpu.memref_squeeze %dma_wait3A_44 : memref<1x1x128xi32, #tpu.memory_space<vmem>> -> memref<128xi32, #tpu.memory_space<vmem>>
      %dma_wait3A_46 = arith.constant 0 : i32
      %dma_wait3A_47 = arith.constant 0 : i32
      %dma_wait3A_48 = tpu.memref_slice %arg3[%dma_wait3A_46, %dma_wait3A_47] : memref<1000000x64xf32, #tpu.memory_space<hbm>> -> memref<1000000x64xf32, #tpu.memory_space<hbm>>
      tpu.wait_indirect_dma semaphore(%arg12 : memref<!tpu.dma_semaphore, #tpu.memory_space<semaphore_mem>>) src(%dma_wait3A_48 : memref<1000000x64xf32, #tpu.memory_space<hbm>>) dst(%arg7 : memref<128x64xf32, #tpu.memory_space<vmem>>)
      %add3A_49 = arith.constant 1 : i32
      %add3A_50 = arith.addi %add3A_38, %add3A_49 : i32
      %lt3A = arith.constant 200 : i32
      %lt3A_51 = arith.cmpi slt, %add3A_50, %lt3A : i32
      %convert_element_type3A = arith.extui %lt3A_51 : i1 to i32
      %cond3A = arith.constant 0 : i32
      %cond3A_52 = arith.cmpi ne, %convert_element_type3A, %cond3A : i32
      scf.if %cond3A_52 {
        %add3A_109 = arith.constant 1 : i32
        %add3A_110 = arith.addi %add3A_38, %add3A_109 : i32
        %div3A_111 = arith.constant 8 : i32
        %div3A_112 = arith.divsi %add3A_110, %div3A_111 : i32
        %rem3A_113 = arith.constant 8 : i32
        %rem3A_114 = arith.remsi %add3A_110, %rem3A_113 : i32
        %dma_start3A_115 = arith.constant 0 : i32
        %dma_start3A_116 = tpu.memref_slice %arg6[%div3A_112, %rem3A_114, %dma_start3A_115] : memref<25x8x128xi32, #tpu.memory_space<vmem>> -> memref<1x1x128xi32, #tpu.memory_space<vmem>>
        %dma_start3A_117 = tpu.memref_squeeze %dma_start3A_116 : memref<1x1x128xi32, #tpu.memory_space<vmem>> -> memref<128xi32, #tpu.memory_space<vmem>>
        %dma_start3A_118 = arith.constant 0 : i32
        %dma_start3A_119 = arith.constant 0 : i32
        %dma_start3A_120 = tpu.memref_slice %arg3[%dma_start3A_118, %dma_start3A_119] : memref<1000000x64xf32, #tpu.memory_space<hbm>> -> memref<1000000x64xf32, #tpu.memory_space<hbm>>
        tpu.enqueue_indirect_dma source(%dma_start3A_120 : memref<1000000x64xf32, #tpu.memory_space<hbm>>) target(%arg8 : memref<128x64xf32, #tpu.memory_space<vmem>>) offsets(%dma_start3A_117 : memref<128xi32, #tpu.memory_space<vmem>>) semaphore(%arg12 : memref<!tpu.dma_semaphore, #tpu.memory_space<semaphore_mem>>)
      } else {
      }
      %ge3A = arith.constant 2 : i32
      %ge3A_53 = arith.cmpi sge, %add3A_38, %ge3A : i32
      %convert_element_type3A_54 = arith.extui %ge3A_53 : i1 to i32
      %cond3A_55 = arith.constant 0 : i32
      %cond3A_56 = arith.cmpi ne, %convert_element_type3A_54, %cond3A_55 : i32
      scf.if %cond3A_56 {
        %sub3A = arith.constant 2 : i32
        %sub3A_109 = arith.subi %add3A_38, %sub3A : i32
        %mul3A_110 = arith.constant 8 : i32
        %mul3A_111 = arith.muli %sub3A_109, %mul3A_110 : i32
        %dma_wait3A_112 = arith.constant 0 : i32
        %dma_wait3A_113 = arith.constant 0 : i32
        %dma_wait3A_114 = tpu.memref_slice %arg5[%mul3A_111, %add3A, %dma_wait3A_112, %dma_wait3A_113] : memref<1600x32x8x128xf32, #tpu.memory_space<hbm>> -> memref<8x1x8x128xf32, #tpu.memory_space<hbm>>
        %dma_wait3A_115 = tpu.memref_squeeze %dma_wait3A_114 : memref<8x1x8x128xf32, #tpu.memory_space<hbm>> -> memref<8x8x128xf32, #tpu.memory_space<hbm>>
        %dma_wait3A_116 = arith.constant 0 : i32
        %dma_wait3A_117 = arith.constant 0 : i32
        %dma_wait3A_118 = tpu.memref_slice %arg5[%mul3A_111, %add3A, %dma_wait3A_116, %dma_wait3A_117] : memref<1600x32x8x128xf32, #tpu.memory_space<hbm>> -> memref<8x1x8x128xf32, #tpu.memory_space<hbm>>
        %dma_wait3A_119 = tpu.memref_squeeze %dma_wait3A_118 : memref<8x1x8x128xf32, #tpu.memory_space<hbm>> -> memref<8x8x128xf32, #tpu.memory_space<hbm>>
        tpu.wait_dma2 semaphore(%arg13 : memref<!tpu.dma_semaphore, #tpu.memory_space<semaphore_mem>>) src(%arg9 : memref<8x8x128xf32, #tpu.memory_space<vmem>>) dst(%dma_wait3A_119 : memref<8x8x128xf32, #tpu.memory_space<hbm>>)
      } else {
      }
      %broadcast_in_dim3A = vector.broadcast %add3A_38 : i32 to vector<16xi32>
      %parallel_loop3A = arith.constant 0 : i32
      %parallel_loop3A_57 = arith.constant 64 : i32
      %parallel_loop3A_58 = arith.constant 1 : i32
      scf.for %parallel_loop3A_109 = %parallel_loop3A to %parallel_loop3A_57 step %parallel_loop3A_58  : i32 {
        %parallel_loop3A_110 = arith.constant 4 : i32
        %parallel_loop3A_111 = arith.shrui %parallel_loop3A_109, %parallel_loop3A_110 : i32
        %parallel_loop3A_112 = arith.constant 15 : i32
        %parallel_loop3A_113 = arith.andi %parallel_loop3A_109, %parallel_loop3A_112 : i32
        %parallel_loop3A_114 = arith.constant 16 : i32
        %parallel_loop3A_115 = arith.muli %parallel_loop3A_111, %parallel_loop3A_114 : i32
        %parallel_loop3A_116 = vector.broadcast %parallel_loop3A_113 : i32 to vector<16xi32>
        %parallel_loop3A_117 = arith.addi %iota3A, %parallel_loop3A_116 : vector<16xi32>
        %parallel_loop3A_118 = arith.constant 15 : i32
        %parallel_loop3A_119 = vector.broadcast %parallel_loop3A_118 : i32 to vector<16xi32>
        %parallel_loop3A_120 = arith.andi %parallel_loop3A_117, %parallel_loop3A_119 : vector<16xi32>
        %parallel_loop3A_121 = vector.broadcast %parallel_loop3A_115 : i32 to vector<16xi32>
        %parallel_loop3A_122 = arith.addi %parallel_loop3A_121, %parallel_loop3A_120 : vector<16xi32>
        %parallel_loop3A_123 = tpu.vector_load_idx %arg11[%broadcast_in_dim3A, %parallel_loop3A_122] : memref<200x64xf32, #tpu.memory_space<vmem>>[vector<16xi32>, vector<16xi32>], vector<16xf32>,
        %parallel_loop3A_124 = arith.constant 3 : i32
        %parallel_loop3A_125 = vector.broadcast %parallel_loop3A_124 : i32 to vector<16xi32>
        %parallel_loop3A_126 = arith.shrui %parallel_loop3A_122, %parallel_loop3A_125 : vector<16xi32>
        %parallel_loop3A_127 = arith.constant 7 : i32
        %parallel_loop3A_128 = vector.broadcast %parallel_loop3A_127 : i32 to vector<16xi32>
        %parallel_loop3A_129 = arith.andi %parallel_loop3A_122, %parallel_loop3A_128 : vector<16xi32>
        %parallel_loop3A_130 = arith.constant 0 : i32
        %parallel_loop3A_131 = vector.broadcast %parallel_loop3A_130 : i32 to vector<16xi32>
        %parallel_loop3A_132 = arith.addi %iota3A, %parallel_loop3A_131 : vector<16xi32>
        %parallel_loop3A_133 = tpu.vector_load_idx %arg7[%parallel_loop3A_132, %parallel_loop3A_122] : memref<128x64xf32, #tpu.memory_space<vmem>>[vector<16xi32>, vector<16xi32>], vector<16xf32>,
        %parallel_loop3A_134 = arith.addf %parallel_loop3A_133, %parallel_loop3A_123 : vector<16xf32>
        tpu.vector_store_idx %arg9[%parallel_loop3A_126, %parallel_loop3A_129, %parallel_loop3A_132], %parallel_loop3A_134 : memref<8x8x128xf32, #tpu.memory_space<vmem>>[vector<16xi32>, vector<16xi32>, vector<16xi32>], vector<16xf32>,
        %parallel_loop3A_135 = arith.constant 16 : i32
        %parallel_loop3A_136 = vector.broadcast %parallel_loop3A_135 : i32 to vector<16xi32>
        %parallel_loop3A_137 = arith.addi %iota3A, %parallel_loop3A_136 : vector<16xi32>
        %parallel_loop3A_138 = tpu.vector_load_idx %arg7[%parallel_loop3A_137, %parallel_loop3A_122] : memref<128x64xf32, #tpu.memory_space<vmem>>[vector<16xi32>, vector<16xi32>], vector<16xf32>,
        %parallel_loop3A_139 = arith.addf %parallel_loop3A_138, %parallel_loop3A_123 : vector<16xf32>
        tpu.vector_store_idx %arg9[%parallel_loop3A_126, %parallel_loop3A_129, %parallel_loop3A_137], %parallel_loop3A_139 : memref<8x8x128xf32, #tpu.memory_space<vmem>>[vector<16xi32>, vector<16xi32>, vector<16xi32>], vector<16xf32>,
        %parallel_loop3A_140 = arith.constant 32 : i32
        %parallel_loop3A_141 = vector.broadcast %parallel_loop3A_140 : i32 to vector<16xi32>
        %parallel_loop3A_142 = arith.addi %iota3A, %parallel_loop3A_141 : vector<16xi32>
        %parallel_loop3A_143 = tpu.vector_load_idx %arg7[%parallel_loop3A_142, %parallel_loop3A_122] : memref<128x64xf32, #tpu.memory_space<vmem>>[vector<16xi32>, vector<16xi32>], vector<16xf32>,
        %parallel_loop3A_144 = arith.addf %parallel_loop3A_143, %parallel_loop3A_123 : vector<16xf32>
        tpu.vector_store_idx %arg9[%parallel_loop3A_126, %parallel_loop3A_129, %parallel_loop3A_142], %parallel_loop3A_144 : memref<8x8x128xf32, #tpu.memory_space<vmem>>[vector<16xi32>, vector<16xi32>, vector<16xi32>], vector<16xf32>,
        %parallel_loop3A_145 = arith.constant 48 : i32
        %parallel_loop3A_146 = vector.broadcast %parallel_loop3A_145 : i32 to vector<16xi32>
        %parallel_loop3A_147 = arith.addi %iota3A, %parallel_loop3A_146 : vector<16xi32>
        %parallel_loop3A_148 = tpu.vector_load_idx %arg7[%parallel_loop3A_147, %parallel_loop3A_122] : memref<128x64xf32, #tpu.memory_space<vmem>>[vector<16xi32>, vector<16xi32>], vector<16xf32>,
        %parallel_loop3A_149 = arith.addf %parallel_loop3A_148, %parallel_loop3A_123 : vector<16xf32>
        tpu.vector_store_idx %arg9[%parallel_loop3A_126, %parallel_loop3A_129, %parallel_loop3A_147], %parallel_loop3A_149 : memref<8x8x128xf32, #tpu.memory_space<vmem>>[vector<16xi32>, vector<16xi32>, vector<16xi32>], vector<16xf32>,
        %parallel_loop3A_150 = arith.constant 64 : i32
        %parallel_loop3A_151 = vector.broadcast %parallel_loop3A_150 : i32 to vector<16xi32>
        %parallel_loop3A_152 = arith.addi %iota3A, %parallel_loop3A_151 : vector<16xi32>
        %parallel_loop3A_153 = tpu.vector_load_idx %arg7[%parallel_loop3A_152, %parallel_loop3A_122] : memref<128x64xf32, #tpu.memory_space<vmem>>[vector<16xi32>, vector<16xi32>], vector<16xf32>,
        %parallel_loop3A_154 = arith.addf %parallel_loop3A_153, %parallel_loop3A_123 : vector<16xf32>
        tpu.vector_store_idx %arg9[%parallel_loop3A_126, %parallel_loop3A_129, %parallel_loop3A_152], %parallel_loop3A_154 : memref<8x8x128xf32, #tpu.memory_space<vmem>>[vector<16xi32>, vector<16xi32>, vector<16xi32>], vector<16xf32>,
        %parallel_loop3A_155 = arith.constant 80 : i32
        %parallel_loop3A_156 = vector.broadcast %parallel_loop3A_155 : i32 to vector<16xi32>
        %parallel_loop3A_157 = arith.addi %iota3A, %parallel_loop3A_156 : vector<16xi32>
        %parallel_loop3A_158 = tpu.vector_load_idx %arg7[%parallel_loop3A_157, %parallel_loop3A_122] : memref<128x64xf32, #tpu.memory_space<vmem>>[vector<16xi32>, vector<16xi32>], vector<16xf32>,
        %parallel_loop3A_159 = arith.addf %parallel_loop3A_158, %parallel_loop3A_123 : vector<16xf32>
        tpu.vector_store_idx %arg9[%parallel_loop3A_126, %parallel_loop3A_129, %parallel_loop3A_157], %parallel_loop3A_159 : memref<8x8x128xf32, #tpu.memory_space<vmem>>[vector<16xi32>, vector<16xi32>, vector<16xi32>], vector<16xf32>,
        %parallel_loop3A_160 = arith.constant 96 : i32
        %parallel_loop3A_161 = vector.broadcast %parallel_loop3A_160 : i32 to vector<16xi32>
        %parallel_loop3A_162 = arith.addi %iota3A, %parallel_loop3A_161 : vector<16xi32>
        %parallel_loop3A_163 = tpu.vector_load_idx %arg7[%parallel_loop3A_162, %parallel_loop3A_122] : memref<128x64xf32, #tpu.memory_space<vmem>>[vector<16xi32>, vector<16xi32>], vector<16xf32>,
        %parallel_loop3A_164 = arith.addf %parallel_loop3A_163, %parallel_loop3A_123 : vector<16xf32>
        tpu.vector_store_idx %arg9[%parallel_loop3A_126, %parallel_loop3A_129, %parallel_loop3A_162], %parallel_loop3A_164 : memref<8x8x128xf32, #tpu.memory_space<vmem>>[vector<16xi32>, vector<16xi32>, vector<16xi32>], vector<16xf32>,
        %parallel_loop3A_165 = arith.constant 112 : i32
        %parallel_loop3A_166 = vector.broadcast %parallel_loop3A_165 : i32 to vector<16xi32>
        %parallel_loop3A_167 = arith.addi %iota3A, %parallel_loop3A_166 : vector<16xi32>
        %parallel_loop3A_168 = tpu.vector_load_idx %arg7[%parallel_loop3A_167, %parallel_loop3A_122] : memref<128x64xf32, #tpu.memory_space<vmem>>[vector<16xi32>, vector<16xi32>], vector<16xf32>,
        %parallel_loop3A_169 = arith.addf %parallel_loop3A_168, %parallel_loop3A_123 : vector<16xf32>
        tpu.vector_store_idx %arg9[%parallel_loop3A_126, %parallel_loop3A_129, %parallel_loop3A_167], %parallel_loop3A_169 : memref<8x8x128xf32, #tpu.memory_space<vmem>>[vector<16xi32>, vector<16xi32>, vector<16xi32>], vector<16xf32>,
      } {sc.loop_unroll_factor = 4 : i64, sc.parallel_access}
      %mul3A_59 = arith.constant 8 : i32
      %mul3A_60 = arith.muli %add3A_38, %mul3A_59 : i32
      %dma_start3A_61 = arith.constant 0 : i32
      %dma_start3A_62 = arith.constant 0 : i32
      %dma_start3A_63 = tpu.memref_slice %arg5[%mul3A_60, %add3A, %dma_start3A_61, %dma_start3A_62] : memref<1600x32x8x128xf32, #tpu.memory_space<hbm>> -> memref<8x1x8x128xf32, #tpu.memory_space<hbm>>
      %dma_start3A_64 = tpu.memref_squeeze %dma_start3A_63 : memref<8x1x8x128xf32, #tpu.memory_space<hbm>> -> memref<8x8x128xf32, #tpu.memory_space<hbm>>
      %dma_start3A_65 = arith.constant 0 : i32
      %dma_start3A_66 = arith.constant 0 : i32
      %dma_start3A_67 = tpu.memref_slice %arg5[%mul3A_60, %add3A, %dma_start3A_65, %dma_start3A_66] : memref<1600x32x8x128xf32, #tpu.memory_space<hbm>> -> memref<8x1x8x128xf32, #tpu.memory_space<hbm>>
      %dma_start3A_68 = tpu.memref_squeeze %dma_start3A_67 : memref<8x1x8x128xf32, #tpu.memory_space<hbm>> -> memref<8x8x128xf32, #tpu.memory_space<hbm>>
      tpu.enqueue_dma source(%arg9 : memref<8x8x128xf32, #tpu.memory_space<vmem>>) target(%dma_start3A_68 : memref<8x8x128xf32, #tpu.memory_space<hbm>>) target_semaphore(%arg13 : memref<!tpu.dma_semaphore, #tpu.memory_space<semaphore_mem>>)
      %mul3A_69 = arith.constant 2 : i32
      %mul3A_70 = arith.muli %scan3A_34, %mul3A_69 : i32
      %add3A_71 = arith.constant 1 : i32
      %add3A_72 = arith.addi %mul3A_70, %add3A_71 : i32
      %div3A_73 = arith.constant 8 : i32
      %div3A_74 = arith.divsi %add3A_72, %div3A_73 : i32
      %rem3A_75 = arith.constant 8 : i32
      %rem3A_76 = arith.remsi %add3A_72, %rem3A_75 : i32
      %dma_wait3A_77 = arith.constant 0 : i32
      %dma_wait3A_78 = tpu.memref_slice %arg6[%div3A_74, %rem3A_76, %dma_wait3A_77] : memref<25x8x128xi32, #tpu.memory_space<vmem>> -> memref<1x1x128xi32, #tpu.memory_space<vmem>>
      %dma_wait3A_79 = tpu.memref_squeeze %dma_wait3A_78 : memref<1x1x128xi32, #tpu.memory_space<vmem>> -> memref<128xi32, #tpu.memory_space<vmem>>
      %dma_wait3A_80 = arith.constant 0 : i32
      %dma_wait3A_81 = arith.constant 0 : i32
      %dma_wait3A_82 = tpu.memref_slice %arg3[%dma_wait3A_80, %dma_wait3A_81] : memref<1000000x64xf32, #tpu.memory_space<hbm>> -> memref<1000000x64xf32, #tpu.memory_space<hbm>>
      tpu.wait_indirect_dma semaphore(%arg12 : memref<!tpu.dma_semaphore, #tpu.memory_space<semaphore_mem>>) src(%dma_wait3A_82 : memref<1000000x64xf32, #tpu.memory_space<hbm>>) dst(%arg8 : memref<128x64xf32, #tpu.memory_space<vmem>>)
      %add3A_83 = arith.constant 1 : i32
      %add3A_84 = arith.addi %add3A_72, %add3A_83 : i32
      %lt3A_85 = arith.constant 200 : i32
      %lt3A_86 = arith.cmpi slt, %add3A_84, %lt3A_85 : i32
      %convert_element_type3A_87 = arith.extui %lt3A_86 : i1 to i32
      %cond3A_88 = arith.constant 0 : i32
      %cond3A_89 = arith.cmpi ne, %convert_element_type3A_87, %cond3A_88 : i32
      scf.if %cond3A_89 {
        %add3A_109 = arith.constant 1 : i32
        %add3A_110 = arith.addi %add3A_72, %add3A_109 : i32
        %div3A_111 = arith.constant 8 : i32
        %div3A_112 = arith.divsi %add3A_110, %div3A_111 : i32
        %rem3A_113 = arith.constant 8 : i32
        %rem3A_114 = arith.remsi %add3A_110, %rem3A_113 : i32
        %dma_start3A_115 = arith.constant 0 : i32
        %dma_start3A_116 = tpu.memref_slice %arg6[%div3A_112, %rem3A_114, %dma_start3A_115] : memref<25x8x128xi32, #tpu.memory_space<vmem>> -> memref<1x1x128xi32, #tpu.memory_space<vmem>>
        %dma_start3A_117 = tpu.memref_squeeze %dma_start3A_116 : memref<1x1x128xi32, #tpu.memory_space<vmem>> -> memref<128xi32, #tpu.memory_space<vmem>>
        %dma_start3A_118 = arith.constant 0 : i32
        %dma_start3A_119 = arith.constant 0 : i32
        %dma_start3A_120 = tpu.memref_slice %arg3[%dma_start3A_118, %dma_start3A_119] : memref<1000000x64xf32, #tpu.memory_space<hbm>> -> memref<1000000x64xf32, #tpu.memory_space<hbm>>
        tpu.enqueue_indirect_dma source(%dma_start3A_120 : memref<1000000x64xf32, #tpu.memory_space<hbm>>) target(%arg7 : memref<128x64xf32, #tpu.memory_space<vmem>>) offsets(%dma_start3A_117 : memref<128xi32, #tpu.memory_space<vmem>>) semaphore(%arg12 : memref<!tpu.dma_semaphore, #tpu.memory_space<semaphore_mem>>)
      } else {
      }
      %ge3A_90 = arith.constant 2 : i32
      %ge3A_91 = arith.cmpi sge, %add3A_72, %ge3A_90 : i32
      %convert_element_type3A_92 = arith.extui %ge3A_91 : i1 to i32
      %cond3A_93 = arith.constant 0 : i32
      %cond3A_94 = arith.cmpi ne, %convert_element_type3A_92, %cond3A_93 : i32
      scf.if %cond3A_94 {
        %sub3A = arith.constant 2 : i32
        %sub3A_109 = arith.subi %add3A_72, %sub3A : i32
        %mul3A_110 = arith.constant 8 : i32
        %mul3A_111 = arith.muli %sub3A_109, %mul3A_110 : i32
        %dma_wait3A_112 = arith.constant 0 : i32
        %dma_wait3A_113 = arith.constant 0 : i32
        %dma_wait3A_114 = tpu.memref_slice %arg5[%mul3A_111, %add3A, %dma_wait3A_112, %dma_wait3A_113] : memref<1600x32x8x128xf32, #tpu.memory_space<hbm>> -> memref<8x1x8x128xf32, #tpu.memory_space<hbm>>
        %dma_wait3A_115 = tpu.memref_squeeze %dma_wait3A_114 : memref<8x1x8x128xf32, #tpu.memory_space<hbm>> -> memref<8x8x128xf32, #tpu.memory_space<hbm>>
        %dma_wait3A_116 = arith.constant 0 : i32
        %dma_wait3A_117 = arith.constant 0 : i32
        %dma_wait3A_118 = tpu.memref_slice %arg5[%mul3A_111, %add3A, %dma_wait3A_116, %dma_wait3A_117] : memref<1600x32x8x128xf32, #tpu.memory_space<hbm>> -> memref<8x1x8x128xf32, #tpu.memory_space<hbm>>
        %dma_wait3A_119 = tpu.memref_squeeze %dma_wait3A_118 : memref<8x1x8x128xf32, #tpu.memory_space<hbm>> -> memref<8x8x128xf32, #tpu.memory_space<hbm>>
        tpu.wait_dma2 semaphore(%arg13 : memref<!tpu.dma_semaphore, #tpu.memory_space<semaphore_mem>>) src(%arg10 : memref<8x8x128xf32, #tpu.memory_space<vmem>>) dst(%dma_wait3A_119 : memref<8x8x128xf32, #tpu.memory_space<hbm>>)
      } else {
      }
      %broadcast_in_dim3A_95 = vector.broadcast %add3A_72 : i32 to vector<16xi32>
      %parallel_loop3A_96 = arith.constant 0 : i32
      %parallel_loop3A_97 = arith.constant 64 : i32
      %parallel_loop3A_98 = arith.constant 1 : i32
      scf.for %parallel_loop3A_109 = %parallel_loop3A_96 to %parallel_loop3A_97 step %parallel_loop3A_98  : i32 {
        %parallel_loop3A_110 = arith.constant 4 : i32
        %parallel_loop3A_111 = arith.shrui %parallel_loop3A_109, %parallel_loop3A_110 : i32
        %parallel_loop3A_112 = arith.constant 15 : i32
        %parallel_loop3A_113 = arith.andi %parallel_loop3A_109, %parallel_loop3A_112 : i32
        %parallel_loop3A_114 = arith.constant 16 : i32
        %parallel_loop3A_115 = arith.muli %parallel_loop3A_111, %parallel_loop3A_114 : i32
        %parallel_loop3A_116 = vector.broadcast %parallel_loop3A_113 : i32 to vector<16xi32>
        %parallel_loop3A_117 = arith.addi %iota3A, %parallel_loop3A_116 : vector<16xi32>
        %parallel_loop3A_118 = arith.constant 15 : i32
        %parallel_loop3A_119 = vector.broadcast %parallel_loop3A_118 : i32 to vector<16xi32>
        %parallel_loop3A_120 = arith.andi %parallel_loop3A_117, %parallel_loop3A_119 : vector<16xi32>
        %parallel_loop3A_121 = vector.broadcast %parallel_loop3A_115 : i32 to vector<16xi32>
        %parallel_loop3A_122 = arith.addi %parallel_loop3A_121, %parallel_loop3A_120 : vector<16xi32>
        %parallel_loop3A_123 = tpu.vector_load_idx %arg11[%broadcast_in_dim3A_95, %parallel_loop3A_122] : memref<200x64xf32, #tpu.memory_space<vmem>>[vector<16xi32>, vector<16xi32>], vector<16xf32>,
        %parallel_loop3A_124 = arith.constant 3 : i32
        %parallel_loop3A_125 = vector.broadcast %parallel_loop3A_124 : i32 to vector<16xi32>
        %parallel_loop3A_126 = arith.shrui %parallel_loop3A_122, %parallel_loop3A_125 : vector<16xi32>
        %parallel_loop3A_127 = arith.constant 7 : i32
        %parallel_loop3A_128 = vector.broadcast %parallel_loop3A_127 : i32 to vector<16xi32>
        %parallel_loop3A_129 = arith.andi %parallel_loop3A_122, %parallel_loop3A_128 : vector<16xi32>
        %parallel_loop3A_130 = arith.constant 0 : i32
        %parallel_loop3A_131 = vector.broadcast %parallel_loop3A_130 : i32 to vector<16xi32>
        %parallel_loop3A_132 = arith.addi %iota3A, %parallel_loop3A_131 : vector<16xi32>
        %parallel_loop3A_133 = tpu.vector_load_idx %arg8[%parallel_loop3A_132, %parallel_loop3A_122] : memref<128x64xf32, #tpu.memory_space<vmem>>[vector<16xi32>, vector<16xi32>], vector<16xf32>,
        %parallel_loop3A_134 = arith.addf %parallel_loop3A_133, %parallel_loop3A_123 : vector<16xf32>
        tpu.vector_store_idx %arg10[%parallel_loop3A_126, %parallel_loop3A_129, %parallel_loop3A_132], %parallel_loop3A_134 : memref<8x8x128xf32, #tpu.memory_space<vmem>>[vector<16xi32>, vector<16xi32>, vector<16xi32>], vector<16xf32>,
        %parallel_loop3A_135 = arith.constant 16 : i32
        %parallel_loop3A_136 = vector.broadcast %parallel_loop3A_135 : i32 to vector<16xi32>
        %parallel_loop3A_137 = arith.addi %iota3A, %parallel_loop3A_136 : vector<16xi32>
        %parallel_loop3A_138 = tpu.vector_load_idx %arg8[%parallel_loop3A_137, %parallel_loop3A_122] : memref<128x64xf32, #tpu.memory_space<vmem>>[vector<16xi32>, vector<16xi32>], vector<16xf32>,
        %parallel_loop3A_139 = arith.addf %parallel_loop3A_138, %parallel_loop3A_123 : vector<16xf32>
        tpu.vector_store_idx %arg10[%parallel_loop3A_126, %parallel_loop3A_129, %parallel_loop3A_137], %parallel_loop3A_139 : memref<8x8x128xf32, #tpu.memory_space<vmem>>[vector<16xi32>, vector<16xi32>, vector<16xi32>], vector<16xf32>,
        %parallel_loop3A_140 = arith.constant 32 : i32
        %parallel_loop3A_141 = vector.broadcast %parallel_loop3A_140 : i32 to vector<16xi32>
        %parallel_loop3A_142 = arith.addi %iota3A, %parallel_loop3A_141 : vector<16xi32>
        %parallel_loop3A_143 = tpu.vector_load_idx %arg8[%parallel_loop3A_142, %parallel_loop3A_122] : memref<128x64xf32, #tpu.memory_space<vmem>>[vector<16xi32>, vector<16xi32>], vector<16xf32>,
        %parallel_loop3A_144 = arith.addf %parallel_loop3A_143, %parallel_loop3A_123 : vector<16xf32>
        tpu.vector_store_idx %arg10[%parallel_loop3A_126, %parallel_loop3A_129, %parallel_loop3A_142], %parallel_loop3A_144 : memref<8x8x128xf32, #tpu.memory_space<vmem>>[vector<16xi32>, vector<16xi32>, vector<16xi32>], vector<16xf32>,
        %parallel_loop3A_145 = arith.constant 48 : i32
        %parallel_loop3A_146 = vector.broadcast %parallel_loop3A_145 : i32 to vector<16xi32>
        %parallel_loop3A_147 = arith.addi %iota3A, %parallel_loop3A_146 : vector<16xi32>
        %parallel_loop3A_148 = tpu.vector_load_idx %arg8[%parallel_loop3A_147, %parallel_loop3A_122] : memref<128x64xf32, #tpu.memory_space<vmem>>[vector<16xi32>, vector<16xi32>], vector<16xf32>,
        %parallel_loop3A_149 = arith.addf %parallel_loop3A_148, %parallel_loop3A_123 : vector<16xf32>
        tpu.vector_store_idx %arg10[%parallel_loop3A_126, %parallel_loop3A_129, %parallel_loop3A_147], %parallel_loop3A_149 : memref<8x8x128xf32, #tpu.memory_space<vmem>>[vector<16xi32>, vector<16xi32>, vector<16xi32>], vector<16xf32>,
        %parallel_loop3A_150 = arith.constant 64 : i32
        %parallel_loop3A_151 = vector.broadcast %parallel_loop3A_150 : i32 to vector<16xi32>
        %parallel_loop3A_152 = arith.addi %iota3A, %parallel_loop3A_151 : vector<16xi32>
        %parallel_loop3A_153 = tpu.vector_load_idx %arg8[%parallel_loop3A_152, %parallel_loop3A_122] : memref<128x64xf32, #tpu.memory_space<vmem>>[vector<16xi32>, vector<16xi32>], vector<16xf32>,
        %parallel_loop3A_154 = arith.addf %parallel_loop3A_153, %parallel_loop3A_123 : vector<16xf32>
        tpu.vector_store_idx %arg10[%parallel_loop3A_126, %parallel_loop3A_129, %parallel_loop3A_152], %parallel_loop3A_154 : memref<8x8x128xf32, #tpu.memory_space<vmem>>[vector<16xi32>, vector<16xi32>, vector<16xi32>], vector<16xf32>,
        %parallel_loop3A_155 = arith.constant 80 : i32
        %parallel_loop3A_156 = vector.broadcast %parallel_loop3A_155 : i32 to vector<16xi32>
        %parallel_loop3A_157 = arith.addi %iota3A, %parallel_loop3A_156 : vector<16xi32>
        %parallel_loop3A_158 = tpu.vector_load_idx %arg8[%parallel_loop3A_157, %parallel_loop3A_122] : memref<128x64xf32, #tpu.memory_space<vmem>>[vector<16xi32>, vector<16xi32>], vector<16xf32>,
        %parallel_loop3A_159 = arith.addf %parallel_loop3A_158, %parallel_loop3A_123 : vector<16xf32>
        tpu.vector_store_idx %arg10[%parallel_loop3A_126, %parallel_loop3A_129, %parallel_loop3A_157], %parallel_loop3A_159 : memref<8x8x128xf32, #tpu.memory_space<vmem>>[vector<16xi32>, vector<16xi32>, vector<16xi32>], vector<16xf32>,
        %parallel_loop3A_160 = arith.constant 96 : i32
        %parallel_loop3A_161 = vector.broadcast %parallel_loop3A_160 : i32 to vector<16xi32>
        %parallel_loop3A_162 = arith.addi %iota3A, %parallel_loop3A_161 : vector<16xi32>
        %parallel_loop3A_163 = tpu.vector_load_idx %arg8[%parallel_loop3A_162, %parallel_loop3A_122] : memref<128x64xf32, #tpu.memory_space<vmem>>[vector<16xi32>, vector<16xi32>], vector<16xf32>,
        %parallel_loop3A_164 = arith.addf %parallel_loop3A_163, %parallel_loop3A_123 : vector<16xf32>
        tpu.vector_store_idx %arg10[%parallel_loop3A_126, %parallel_loop3A_129, %parallel_loop3A_162], %parallel_loop3A_164 : memref<8x8x128xf32, #tpu.memory_space<vmem>>[vector<16xi32>, vector<16xi32>, vector<16xi32>], vector<16xf32>,
        %parallel_loop3A_165 = arith.constant 112 : i32
        %parallel_loop3A_166 = vector.broadcast %parallel_loop3A_165 : i32 to vector<16xi32>
        %parallel_loop3A_167 = arith.addi %iota3A, %parallel_loop3A_166 : vector<16xi32>
        %parallel_loop3A_168 = tpu.vector_load_idx %arg8[%parallel_loop3A_167, %parallel_loop3A_122] : memref<128x64xf32, #tpu.memory_space<vmem>>[vector<16xi32>, vector<16xi32>], vector<16xf32>,
        %parallel_loop3A_169 = arith.addf %parallel_loop3A_168, %parallel_loop3A_123 : vector<16xf32>
        tpu.vector_store_idx %arg10[%parallel_loop3A_126, %parallel_loop3A_129, %parallel_loop3A_167], %parallel_loop3A_169 : memref<8x8x128xf32, #tpu.memory_space<vmem>>[vector<16xi32>, vector<16xi32>, vector<16xi32>], vector<16xf32>,
      } {sc.loop_unroll_factor = 4 : i64, sc.parallel_access}
      %mul3A_99 = arith.constant 8 : i32
      %mul3A_100 = arith.muli %add3A_72, %mul3A_99 : i32
      %dma_start3A_101 = arith.constant 0 : i32
      %dma_start3A_102 = arith.constant 0 : i32
      %dma_start3A_103 = tpu.memref_slice %arg5[%mul3A_100, %add3A, %dma_start3A_101, %dma_start3A_102] : memref<1600x32x8x128xf32, #tpu.memory_space<hbm>> -> memref<8x1x8x128xf32, #tpu.memory_space<hbm>>
      %dma_start3A_104 = tpu.memref_squeeze %dma_start3A_103 : memref<8x1x8x128xf32, #tpu.memory_space<hbm>> -> memref<8x8x128xf32, #tpu.memory_space<hbm>>
      %dma_start3A_105 = arith.constant 0 : i32
      %dma_start3A_106 = arith.constant 0 : i32
      %dma_start3A_107 = tpu.memref_slice %arg5[%mul3A_100, %add3A, %dma_start3A_105, %dma_start3A_106] : memref<1600x32x8x128xf32, #tpu.memory_space<hbm>> -> memref<8x1x8x128xf32, #tpu.memory_space<hbm>>
      %dma_start3A_108 = tpu.memref_squeeze %dma_start3A_107 : memref<8x1x8x128xf32, #tpu.memory_space<hbm>> -> memref<8x8x128xf32, #tpu.memory_space<hbm>>
      tpu.enqueue_dma source(%arg10 : memref<8x8x128xf32, #tpu.memory_space<vmem>>) target(%dma_start3A_108 : memref<8x8x128xf32, #tpu.memory_space<hbm>>) target_semaphore(%arg13 : memref<!tpu.dma_semaphore, #tpu.memory_space<semaphore_mem>>)
    }
    %scan3A_14 = arith.constant 100 : i32
    %dma_wait3A = arith.constant 1584 : i32
    %dma_wait3A_15 = arith.constant 0 : i32
    %dma_wait3A_16 = arith.constant 0 : i32
    %dma_wait3A_17 = tpu.memref_slice %arg5[%dma_wait3A, %add3A, %dma_wait3A_15, %dma_wait3A_16] : memref<1600x32x8x128xf32, #tpu.memory_space<hbm>> -> memref<8x1x8x128xf32, #tpu.memory_space<hbm>>
    %dma_wait3A_18 = tpu.memref_squeeze %dma_wait3A_17 : memref<8x1x8x128xf32, #tpu.memory_space<hbm>> -> memref<8x8x128xf32, #tpu.memory_space<hbm>>
    %dma_wait3A_19 = arith.constant 1584 : i32
    %dma_wait3A_20 = arith.constant 0 : i32
    %dma_wait3A_21 = arith.constant 0 : i32
    %dma_wait3A_22 = tpu.memref_slice %arg5[%dma_wait3A_19, %add3A, %dma_wait3A_20, %dma_wait3A_21] : memref<1600x32x8x128xf32, #tpu.memory_space<hbm>> -> memref<8x1x8x128xf32, #tpu.memory_space<hbm>>
    %dma_wait3A_23 = tpu.memref_squeeze %dma_wait3A_22 : memref<8x1x8x128xf32, #tpu.memory_space<hbm>> -> memref<8x8x128xf32, #tpu.memory_space<hbm>>
    tpu.wait_dma2 semaphore(%arg13 : memref<!tpu.dma_semaphore, #tpu.memory_space<semaphore_mem>>) src(%arg9 : memref<8x8x128xf32, #tpu.memory_space<vmem>>) dst(%dma_wait3A_23 : memref<8x8x128xf32, #tpu.memory_space<hbm>>)
    %dma_wait3A_24 = arith.constant 1592 : i32
    %dma_wait3A_25 = arith.constant 0 : i32
    %dma_wait3A_26 = arith.constant 0 : i32
    %dma_wait3A_27 = tpu.memref_slice %arg5[%dma_wait3A_24, %add3A, %dma_wait3A_25, %dma_wait3A_26] : memref<1600x32x8x128xf32, #tpu.memory_space<hbm>> -> memref<8x1x8x128xf32, #tpu.memory_space<hbm>>
    %dma_wait3A_28 = tpu.memref_squeeze %dma_wait3A_27 : memref<8x1x8x128xf32, #tpu.memory_space<hbm>> -> memref<8x8x128xf32, #tpu.memory_space<hbm>>
    %dma_wait3A_29 = arith.constant 1592 : i32
    %dma_wait3A_30 = arith.constant 0 : i32
    %dma_wait3A_31 = arith.constant 0 : i32
    %dma_wait3A_32 = tpu.memref_slice %arg5[%dma_wait3A_29, %add3A, %dma_wait3A_30, %dma_wait3A_31] : memref<1600x32x8x128xf32, #tpu.memory_space<hbm>> -> memref<8x1x8x128xf32, #tpu.memory_space<hbm>>
    %dma_wait3A_33 = tpu.memref_squeeze %dma_wait3A_32 : memref<8x1x8x128xf32, #tpu.memory_space<hbm>> -> memref<8x8x128xf32, #tpu.memory_space<hbm>>
    tpu.wait_dma2 semaphore(%arg13 : memref<!tpu.dma_semaphore, #tpu.memory_space<semaphore_mem>>) src(%arg10 : memref<8x8x128xf32, #tpu.memory_space<vmem>>) dst(%dma_wait3A_33 : memref<8x8x128xf32, #tpu.memory_space<hbm>>)
    return
  }
}

</mosaic_0001>

<sc_bundles>
// kernel: kernel.3.cloned.1.call-start
scs
__scs_entry_jumppad:
0x0: {  	(pc) =	sbr.rel $0x88, $3  }
0x1: {  	(tag) =	ssettag $0x0;
	lr =	simm.s32 $0x1  }
0x2: {  	[smem:$0x3F9E] =	sst lr;
	_ =	strace $0xD0000000  }
0x3: {  	_ = 	snop  }
0x4: {  	_ = 	snop  }
0x5: {  	_ = 	snop  }
0x6: {  	_ = 	snop  }
0x7: {  	_ = 	snop  }
__scs_overlays_trampoline_lowered:
0x8: {  	[smem:$0x3FAD] =	sst s0  }
0x9: {  	[smem:$0x3FAE] =	sst s1  }
0xa: {  	[smem:$0x3FAF] =	sst s2  }
0xb: {  	[smem:$0x3FB0] =	sst s3  }
0xc: {  	[smem:$0x3FB1] =	sst s4  }
0xd: {  	[smem:$0x3FB2] =	sst s5  }
0xe: {  	[smem:$0x3FB3] =	sst s6  }
0xf: {  	[smem:$0x3FB4] =	sst s7  }
0x10: {  	[smem:$0x3FB5] =	sst s8  }
0x11: {  	[smem:$0x3FB6] =	sst s9;
	s0 =	simm.s32 @!p0 $0x0  }
0x12: {  	s1 =	sld [smem:$0x3F9C];
	s0 =	simm.s32 @p0 $0x1  }
0x13: {  	[smem:$0x3FB7] =	sst s0;
	s0 =	simm.s32 @!p1 $0x0  }
0x14: {  	s2 =	sld [smem:$0x3F9B];
	s0 =	simm.s32 @p1 $0x1  }
0x15: {  	[smem:$0x3FB8] =	sst s0;
	s0 =	simm.s32 @!p2 $0x0  }
0x16: {  	s3 =	sld [smem:$0x3FDB];
	s0 =	simm.s32 @p2 $0x1  }
0x17: {  	s4 =	simm.s32 $0x1BF5;
	[smem:$0x3FBA] =	sst s0  }
0x18: {  	s0 =	sld [smem:$0x3F9D];
	_ =	swait.ge [sflag:s4], $0x0  }
0x19: {  	s7 =	sld [smem:$0x3F9E]  }
0x1a: {  	s8 =	sadd.s32 $0xFFFFE003, lr  }
0x1b: {  	s9 =	sadd.s32 $0xFFFFFEF7, lr;
	s5 =	simm.s32 $0xFFFFFFFF;
	p2 =	slt.u32 s8, $0xFFFFF086  }
0x1c: {  	p1 =	slt.u32 s9, $0xF7A;
	s5 =	simm.s32 @!p2 $0x0  }
0x1d: {  	s5 =	simm.s32 @p1 $0x1;
	p0 =	seq.s32 s7, s2  }
0x1e: {  	s7 =	smul.u32 @!p0 $0xF7A, s2;
	p2 =	seq.s32 @!p0 s5, $0x0  }
0x1f: {  	s9 =	smul.u32 $0xF7A, s1;
	s8 =	simm.s32 @!p0 $0x1BF5;
	p2 =	por !p2, p0  }
0x20: {  	[sflag:s8] =	ssyncset.s32 @!p0 $0xFFFFF086;
	s6 =	sadd.s32 @!p0 s3, s7;
	s7 =	simm.s32 @!p0 $0x108  }
0x21: {  	s3 =	sadd.s32 s3, s9;
	s6 =	sadd.s32 @!p0 $0x88, s6;
	s7 =	simm.s32 @p2 $0x1082  }
0x22: {  	[simem:s7], [sflag:s8] =	dma.local @!p0 [hbm:s6], $0xF7A  }
0x23: {  	s9 =	sor.u32 $0xD0000000, s2;
	s6 =	simm.s32 $0x108;
	_ =	swait.ge @!p0 [sflag:s8], $0x0  }
0x24: {  	s3 =	sadd.s32 $0x88, s3;
	s6 =	simm.s32 @!p1 $0x1082;
	[sflag:s4] =	ssyncset.s32 $0xFFFFF086  }
0x25: {  	[simem:s6], [sflag:s4] =	dma.local [hbm:s3], $0xF7A  }
0x26: {  	[smem:$0x3F9E] =	sst s1;
	(tag) =	ssettag s2;
	_ =	strace s9  }
0x27: {  	s1 =	sld [smem:$0x3FAE]  }
0x28: {  	s2 =	sld [smem:$0x3FAF]  }
0x29: {  	s4 =	sld [smem:$0x3FB1]  }
0x2a: {  	p0 =	seq.s32 s5, $0x0;
	s5 =	sld [smem:$0x3FB2]  }
0x2b: {  	s6 =	sld [smem:$0x3FB3]  }
0x2c: {  	s7 =	sld [smem:$0x3FB4]  }
0x2d: {  	s3 =	simm.s32 $0x108;
	s8 =	sld [smem:$0x3FB5]  }
0x2e: {  	s3 =	simm.s32 @!p0 $0x1082;
	s9 =	sld [smem:$0x3FB6]  }
0x2f: {  	lr =	sadd.s32 s0, s3;
	s0 =	sld [smem:$0x3FAD]  }
0x30: {  	s3 =	sld [smem:$0x3FB0]  }
0x31: {  	[smem:$0x3FB9] =	sst s10  }
0x32: {  	s10 =	sld [smem:$0x3FB7];
	_ =	sdelay $0x3  }
0x33: {  	p0 =	seq.s32 s10, $0x1;
	s10 =	sld [smem:$0x3FB9];
	_ =	sdelay $0x3  }
0x34: {  	[smem:$0x3FB9] =	sst s10  }
0x35: {  	s10 =	sld [smem:$0x3FB8];
	_ =	sdelay $0x3  }
0x36: {  	p1 =	seq.s32 s10, $0x1;
	s10 =	sld [smem:$0x3FB9];
	_ =	sdelay $0x3  }
0x37: {  	[smem:$0x3FB9] =	sst s10  }
0x38: {  	s10 =	sld [smem:$0x3FBA]  }
0x39: {  	_ = 	snop;
	(pc) =	sbr.ind lr, $3  }
0x3a: {  	_ = 	snop  }
0x3b: {  	_ = 	snop  }
0x3c: {  	p2 =	seq.s32 s10, $0x1;
	s10 =	sld [smem:$0x3FB9]  }
0x3d: {  	_ =	shalt  }
0x3e: {  	_ =	shalt  }
0x3f: {  	_ =	shalt  }
0x40: {  	_ =	shalt  }
0x41: {  	_ =	shalt  }
0x42: {  	_ =	shalt  }
0x43: {  	_ =	shalt  }
0x44: {  	_ =	shalt  }
0x45: {  	_ =	shalt  }
0x46: {  	_ =	shalt  }
0x47: {  	_ =	shalt  }
0x48: {  	_ =	shalt  }
0x49: {  	_ =	shalt  }
0x4a: {  	_ =	shalt  }
0x4b: {  	_ =	shalt  }
0x4c: {  	_ =	shalt  }
0x4d: {  	_ =	shalt  }
0x4e: {  	_ =	shalt  }
0x4f: {  	_ =	shalt  }
0x50: {  	_ =	shalt  }
0x51: {  	_ =	shalt  }
0x52: {  	_ =	shalt  }
0x53: {  	_ =	shalt  }
0x54: {  	_ =	shalt  }
0x55: {  	_ =	shalt  }
0x56: {  	_ =	shalt  }
0x57: {  	_ =	shalt  }
0x58: {  	_ =	shalt  }
0x59: {  	_ =	shalt  }
0x5a: {  	_ =	shalt  }
0x5b: {  	_ =	shalt  }
0x5c: {  	_ =	shalt  }
0x5d: {  	_ =	shalt  }
0x5e: {  	_ =	shalt  }
0x5f: {  	_ =	shalt  }
0x60: {  	_ =	shalt  }
0x61: {  	_ =	shalt  }
0x62: {  	_ =	shalt  }
0x63: {  	_ =	shalt  }
0x64: {  	_ =	shalt  }
0x65: {  	_ =	shalt  }
0x66: {  	_ =	shalt  }
0x67: {  	_ =	shalt  }
0x68: {  	_ =	shalt  }
0x69: {  	_ =	shalt  }
0x6a: {  	_ =	shalt  }
0x6b: {  	_ =	shalt  }
0x6c: {  	_ =	shalt  }
0x6d: {  	_ =	shalt  }
0x6e: {  	_ =	shalt  }
0x6f: {  	_ =	shalt  }
0x70: {  	_ =	shalt  }
0x71: {  	_ =	shalt  }
0x72: {  	_ =	shalt  }
0x73: {  	_ =	shalt  }
0x74: {  	_ =	shalt  }
0x75: {  	_ =	shalt  }
0x76: {  	_ =	shalt  }
0x77: {  	_ =	shalt  }
0x78: {  	_ =	shalt  }
0x79: {  	_ =	shalt  }
0x7a: {  	_ =	shalt  }
0x7b: {  	_ =	shalt  }
0x7c: {  	_ =	shalt  }
0x7d: {  	_ =	shalt  }
0x7e: {  	_ =	shalt  }
0x7f: {  	_ =	shalt  }
0x80: {  	_ =	shalt  }
0x81: {  	_ =	shalt  }
0x82: {  	_ =	shalt  }
0x83: {  	_ =	shalt  }
0x84: {  	_ =	shalt  }
0x85: {  	_ =	shalt  }
0x86: {  	_ =	shalt  }
0x87: {  	_ =	shalt  }
.Lfunc_end0:
.L_simem_size_0:
called_computation_lowered:
.L_overlay_start_0:
0x88: {  	s2 =	sld [smem:$0x3FD9]  }
0x89: {  	s3 =	sld [smem:$0x3FFE];
	_ =	sdelay $0x1  }
0x8a: {  	s1 =	srdreg.scid  }
0x8b: {  	s0 =	sand.u32 $0x1, s1  }
0x8c: {  	s17 =	sshll.u32 s0, $0xA;
	s2 =	sadd.s32 s3, s2  }
0x8d: {  	s2 =	sadd.s32 s2, s17  }
0x8e: {  	[smem:$0x3FC5] =	sst s2  }
0x8f: {  	_ = 	snop  }
0x90: {  	s2 =	sld [smem:$0x3FC9]  }
0x91: {  	s18 =	sld [smem:$0x3FD0];
	(tm) =	ssettm $0x1  }
0x92: {  	s4 =	sld [smem:$0x3FFB];
	_ =	sdelay $0x3  }
0x93: {  	_ =	strace s4  }
0x94: {  	s4 =	sld [smem:$0x3FFC];
	_ =	sdelay $0x3  }
0x95: {  	_ =	strace s4  }
0x96: {  	s4 =	sld [smem:$0x3FFD];
	_ =	sdelay $0x3  }
0x97: {  	_ =	strace s4  }
0x98: {  	_ =	strace $0x8FFFFFFF  }
0x99: {  	s19 =	sld [smem:$0x3FDB];
	_ =	sdelay $0x1  }
0x9a: {  	s5 =	simm.s32 $_scs_section_size  }
0x9b: {  	s6 =	simm.s32 $_size__tile_overlayer_lowered;
	s7 =	simm.s32 $_tile_overlayer_lowered  }
0x9c: {  	s22 =	simm.s32 $0x1BFF;
	s21 =	sshll.u32 s7, $0x1;
	s4 =	sadd.s32 s5, s19  }
0x9d: {  	s8 =	simm.s32 $0x0;
	s20 =	sshll.u32 s6, $0x1;
	s6 =	sadd.s32 s21, s4  }
0x9e: {  	[timem:s8], [sflag:s22] =	dma.local [hbm:s6], s20  }
0x9f: {  	_ =	swait.ge [sflag:s22], s20  }
0xa0: {  	s5 =	ssub.s32 $0x0, s20;
	[sflag:s22] =	ssyncset.done $0x0  }
0xa1: {  	[sflag:s22] =	ssyncadd.s32 s5;
	_ =	sdelay $0x1  }
0xa2: {  	s23 =	simm.s32 $0x1B8B  }
0xa3: {  	_ =	swait.ge [sflag:s23], $0x1  }
0xa4: {  	[sflag:s23] =	ssyncset.done $0x0  }
0xa5: {  	s25 =	simm.s32 $0x1B8E;
	s24 =	sld [smem:$0x3FFE];
	[sflag:s23] =	ssyncadd.s32 $0xFFFFFFFF  }
0xa6: {  	s26 =	simm.s32 $execute0_lowered;
	[smem:$0x3FD2] =	sst s25  }
0xa7: {  	s6 =	sshll.u32 s26, $0x1;
	_ =	strace $0x80000046;
	[dreg:$0x1] =	wrdreg $0xFFFFFFFF  }
0xa8: {  	s28 =	simm.s32 $_size_execute0_lowered;
	s4 =	sadd.s32 s4, s6;
	[dreg:$0x0] =	wrdreg $0x0  }
0xa9: {  	s6 =	sshll.u32 s28, $0x1;
	[dreg:$0x2] =	wrdreg s4  }
0xaa: {  	[dreg:$0x3] =	wrdreg s6  }
0xab: {  	[dreg:$0x4] =	wrdreg $0xC0  }
0xac: {  	_ =	task [dreg:s8], $0x5FFFF  }
0xad: {  	[dreg:$0x1] =	wrdreg $0xFFFFFFFF  }
0xae: {  	[dreg:$0x0] =	wrdreg $0x60  }
0xaf: {  	[dreg:$0x2] =	wrdreg s2  }
0xb0: {  	[dreg:$0x3] =	wrdreg s24  }
0xb1: {  	[dreg:$0x4] =	wrdreg s18  }
0xb2: {  	[dreg:$0x5] =	wrdreg $0x9  }
0xb3: {  	_ =	task.clear_ibuf [dreg:s8], $0x6FFFF;
	_ =	strace $0x90000046  }
0xb4: {  	s29 =	simm.s32 $0x9;
	_ =	strace $0x80000048  }
0xb5: {  	_ =	swait.ge [sflag:s29], $0x1  }
0xb6: {  	[sflag:s29] =	ssyncadd.s32 $0xFFFFFFFF  }
0xb7: {  	_ =	strace $0x90000048  }
0xb8: {  	_ =	sfence  }
0xb9: {  	s30 =	sld [smem:$0x0];
	_ =	sdelay $0x2  }
0xba: {  	s31 =	sshll.u32 s1, $0xD;
	s1 =	sshrl.u32 s1, $0x2  }
0xbb: {  	s3 =	sand.u32 $0x4000, s31;
	s1 =	sadd.s32 s1, s30  }
0xbc: {  	s0 =	sor.u32 s3, s0;
	s1 =	sshll.u32 s1, $0x11  }
0xbd: {  	s0 =	sor.u32 s1, s0  }
0xbe: {  	s0 =	sadd.s32 $0x8F2B, s0  }
0xbf: {  	[sflag:s0] =	ssyncadd.remote.s32 $0x1  }
0xc0: {  	_ =	sfence.sel $0xFFFF  }
0xc1: {  	[dreg:$0x0] =	wrdreg $0xFFFFFFFF;
	(pc) =	sbr.abs _section_cstart, $3  }
0xc2: {  	[dreg:$0x1] =	wrdreg $0xFFFFFFFF  }
0xc3: {  	_ =	task.clear_ibuf [dreg:s8], $0x2FFFF;
	_ =	strace $0x9FFFFFFF  }
0xc4: {  	(tm) =	ssettm $0x7FFFFFFF  }
0xc5: {  	_ =	shalt  }
tec
execute0_lowered:
.L_overlay_start_1:
0x0: {  	(tag) =	ssettag $0x1  }
0x1: {  	s7 =	rddreg [dreg:$0x0]  }
0x2: {  	s6 =	rddreg [dreg:$0x1]  }
0x3: {  	s1 =	rddreg [dreg:$0x2];
	s3 =	simm.s32 $0x0;
	v1 =	vlaneseq.u32  }
0x4: {  	[smem:$0x7FF] =	sst s3;
	v2 =	vor.u32 $0x60, v1  }
0x5: {  	s0 =	rddreg [dreg:$0x3];
	v63 =	vor.u32 $0x70, v1;
	_ =	strace $0x80000047;
	[tilespmem:$0x1FF40] =	vst v2  }
0x6: {  	v19 =	vor.u32 $0x20, v1;
	[tilespmem:$0x1FF50] =	vst v63  }
0x7: {  	v50 =	vor.u32 $0x30, v1;
	[tilespmem:$0x1FF70] =	vst v19  }
0x8: {  	v58 =	vor.u32 $0x10, v1;
	[tilespmem:$0x1FF80] =	vst v50  }
0x9: {  	v15 =	vor.u32 $0x40, v1;
	[tilespmem:$0x1FFA0] =	vst v58  }
0xa: {  	v0 =	vmul.u32 $0x40, v1;
	v55 =	vor.u32 $0x50, v1;
	[tilespmem:$0x1FFB0] =	vst v15  }
0xb: {  	s4 =	srdreg.scid;
	s2 =	stileid.u32;
	[tilespmem:$0x1FFF0] =	vst v55  }
0xc: {  	s10 =	simm.s32 $0x8000;
	s11 =	simm.s32 $0x3;
	s12 =	simm.s32 $0xE400;
	v32 =	vor.u32 $0x400, v0;
	[tilespmem:$0x1FF10] =	vst v0  }
0xd: {  	s13 =	simm.s32 $0x80;
	s14 =	simm.s32 $0x6400;
	s15 =	simm.s32 $0x1;
	v28 =	vor.u32 $0xC00, v0;
	[tilespmem:$0x1FF20] =	vst v32  }
0xe: {  	s16 =	simm.s32 $0x8400;
	s17 =	simm.s32 $0xA400;
	s18 =	simm.s32 $0xC400;
	v48 =	vor.u32 $0x800, v0;
	[tilespmem:$0x1FF30] =	vst v28  }
0xf: {  	s19 =	simm.s32 $0x2;
	s20 =	simm.s32 $0x0;
	s4 =	sand.u32 $0x1, s4;
	v51 =	vor.u32 $0x1000, v0;
	[tilespmem:$0x1FF60] =	vst v48  }
0x10: {  	s5 =	sshll.u32 s2, $0xB;
	s8 =	ssub.s32 $0x2, s4;
	s4 =	sshll.u32 s4, $0xA;
	v60 =	vor.u32 $0x1800, v0;
	[tilespmem:$0x1FF90] =	vst v51  }
0x11: {  	s9 =	sshrl.u32 s8, $0x1;
	s4 =	sor.u32 s4, s5;
	s5 =	sadd.s32 $0xF42A00, s6;
	v62 =	vor.u32 $0x1C00, v0;
	[tilespmem:$0x1FFC0] =	vst v60  }
0x12: {  	s6 =	sadd.s32 $0x600, s6;
	v52 =	vor.u32 $0x1400, v0;
	s8 =	ssub.s32 s8, s9;
	s31 =	sshrl.u32 s4, $0x3;
	[tilespmem:$0x1FFD0] =	vst v62  }
0x13: {  	v30 =	vmov v0;
	s9 =	simm.s32 $0x400;
	[tilespmem:$0x1FFE0] =	vst v52;
	s7 =	sadd.s32 s7, s31;
	s8 =	smax.u32 s8, $0x1  }
.LBB2_1:
0x14: {  	[tilespmem:s3], [sflag:$0x3] =	stream.strided.gather [hbm4b:s7+s9], $0x6400, s10, s9, $0x38;
	[tilespmem:$0x11600] =	vst v63  }
0x15: {  	_ =	swait.ge [sflag:s11], $0x6400  }
0x16: {  	[sflag:s11] =	ssyncset.done $0x0  }
0x17: {  	[sflag:s11] =	ssyncadd.s32 $0xFFFF9C00  }
0x18: {  	[tilespmem:s12], [sflag:$0x3] =	stream.linear.gather [hbm4b:s6+s3], $0x3200, $0x38;
	[tilespmem:$0x11600] =	vst v63  }
0x19: {  	_ =	swait.ge [sflag:s11], $0x3200  }
0x1a: {  	[sflag:s11] =	ssyncset.done $0x0  }
0x1b: {  	s21 =	simm.s32 $0x0;
	[sflag:s11] =	ssyncadd.s32 $0xFFFFCE00  }
0x1c: {  	[tilespmem:s14], [sflag:$0x1] =	stream.indirect.gather [hbm4b:s5+s13], $0x40, s3, s13, $0xb8;
	[tilespmem:$0x11600] =	vst v63  }
.LBB2_2:
0x1d: {  	s22 =	simm.s32 $0x0  }
0x1e: {  	s23 =	sand.u32 $0xC, s22  }
0x1f: {  	v17 =	vlaneseq.u32;
	s25 =	sor.u32 $0x1, s23  }
0x20: {  	s24 =	sshll.u32 s21, $0x1;
	v0 =	vadd.s32 s25, v17  }
0x21: {  	s24 =	sshll.u32 s24, $0x6;
	s29 =	sand.u32 $0x30, s22;
	v2 =	vand.u32 $0xF, v0  }
0x22: {  	v57 =	vmov s24;
	v2 =	vor.u32 s29, v2  }
0x23: {  	s26 =	sor.u32 $0x2, s23;
	v4 =	vadd.s32 s23, v17;
	v7 =	vand.u32 $0x7, v0;
	v5 =	vand.u32 $0x38, v2  }
0x24: {  	_ =	swait.ge [sflag:s15], $0x2000;
	s22 =	sshllo.u32 s21, $0x1;
	s23 =	sor.u32 $0x3, s23;
	v1 =	vadd.s32 s26, v17;
	v36 =	vor.u32 v7, v5;
	v5 =	vand.u32 $0xF, v4  }
0x25: {  	s30 =	sshll.u32 s21, $0x8;
	p0 =	seq.s32 s21, $0x0;
	s31 =	sshll.u32 s22, $0x7;
	v9 =	vadd.s32 s23, v17;
	v11 =	vand.u32 $0x7, v4;
	v5 =	vor.u32 s29, v5  }
0x26: {  	[sflag:s15] =	ssyncset.done $0x0;
	s25 =	sand.u32 $0x7C00, s30;
	s26 =	sand.u32 $0x380, s31;
	v3 =	vand.u32 $0xF, v1;
	v8 =	vand.u32 $0x7, v1;
	v10 =	vand.u32 $0x38, v5  }
0x27: {  	[sflag:s15] =	ssyncadd.s32 $0xFFFFE000;
	s23 =	simm.s32 @!p0 $0x2;
	s25 =	sor.u32 s26, s25;
	v3 =	vor.u32 s29, v3;
	v7 =	vor.u32 v57, v36;
	v40 =	vor.u32 v11, v10  }
0x28: {  	v12 =	vand.u32 $0xF, v9;
	[tilespmem:s16], [sflag:$0x1] =	stream.indirect.gather [hbm4b:s5+s13], $0x40, s25, s13, $0xb8;
	v6 =	vand.u32 $0x38, v3;
	v11 =	vor.u32 v30, v40;
	[tilespmem:$0x11600] =	vst v63  }
0x29: {  	_ =	swait.ge @!p0 [sflag:s23], $0x2000;
	v39 =	vor.u32 v8, v6;
	v10 =	vor.u32 s29, v12;
	v13 =	vor.u32 v57, v40  }
0x2a: {  	[sflag:s23] =	ssyncset.done @!p0 $0x0;
	v8 =	vand.u32 $0x7, v9;
	v14 =	vor.u32 v30, v39;
	v6 =	vand.u32 $0x38, v10  }
0x2b: {  	v0 =	vshll.u32 v0, $0x7;
	[sflag:s23] =	ssyncadd.s32 @!p0 $0xFFFFE000;
	v41 =	vor.u32 v8, v6;
	v6 =	vor.u32 v57, v39  }
0x2c: {  	v1 =	vshll.u32 v1, $0x7;
	v10 =	vshll.u32 v10, $0x7;
	v56 =	vld.idx.msk [tilespmem:v7+s12+$0x0], $0xffff;
	v7 =	vor.u32 v57, v41  }
0x2d: {  	v2 =	vshll.u32 v2, $0x7;
	v12 =	vor.u32 v30, v36;
	v8 =	vand.u32 $0x1C00, v10;
	v10 =	vld.idx.msk [tilespmem:v11+s14+$0x0], $0xffff  }
0x2e: {  	v0 =	vand.u32 $0x380, v0;
	v3 =	vshll.u32 v3, $0x7;
	v2 =	vand.u32 $0x1C00, v2;
	v47 =	vld.idx.msk [tilespmem:v13+s12+$0x0], $0xffff  }
0x2f: {  	v4 =	vshll.u32 v4, $0x7;
	v49 =	vor.u32 v0, v2;
	v5 =	vshll.u32 v5, $0x7;
	v11 =	vld.idx.msk [tilespmem:v14+s14+$0x0], $0xffff  }
0x30: {  	v4 =	vand.u32 $0x380, v4;
	v5 =	vand.u32 $0x1C00, v5;
	v0 =	vor.u32 v30, v41;
	v59 =	vld.idx.msk [tilespmem:v6+s12+$0x0], $0xffff  }
0x31: {  	v1 =	vand.u32 $0x380, v1;
	v3 =	vand.u32 $0x1C00, v3;
	v53 =	vor.u32 v4, v5;
	v18 =	vld.idx.msk [tilespmem:v7+s12+$0x0], $0xffff  }
0x32: {  	v1 =	vor.u32 v1, v3;
	v4 =	vor.u32 v17, v53;
	v7 =	vld.idx.msk [tilespmem:v12+s14+$0x0], $0xffff  }
0x33: {  	v6 =	vor.u32 v17, v1  }
0x34: {  	v3 =	vshll.u32 v9, $0x7;
	v2 =	vor.u32 v17, v49  }
0x35: {  	v3 =	vand.u32 $0x380, v3;
	v0 =	vld.idx.msk [tilespmem:v0+s14+$0x0], $0xffff;
	v10 =	vadd.f32 v10, v47  }
0x36: {  	v54 =	vor.u32 v3, v8;
	v3 =	vor.u32 v32, v39;
	v11 =	vadd.f32 v11, v59  }
0x37: {  	v5 =	vor.u32 v32, v36;
	[tilespmem:v4+s17+$0x0] =	vst.idx.msk $0xffff, v10;
	v7 =	vadd.f32 v7, v56  }
0x38: {  	[tilespmem:v6+s17+$0x0] =	vst.idx.msk $0xffff, v11  }
0x39: {  	[tilespmem:v2+s17+$0x0] =	vst.idx.msk $0xffff, v7  }
0x3a: {  	v10 =	vadd.f32 v0, v18;
	v0 =	vor.u32 v51, v40;
	v2 =	vld [tilespmem:$0x1FF30]  }
0x3b: {  	v21 =	vld.idx.msk [tilespmem:v3+s14+$0x0], $0xffff;
	[tilespmem:$0x1FE80] =	vst v0  }
0x3c: {  	v22 =	vor.u32 v17, v54;
	v5 =	vld.idx.msk [tilespmem:v5+s14+$0x0], $0xffff  }
0x3d: {  	v24 =	vor.u32 v58, v1  }
0x3e: {  	v9 =	vor.u32 v58, v49;
	v26 =	vor.u32 v28, v40;
	v8 =	vor.u32 v32, v40  }
0x3f: {  	v11 =	vor.u32 v28, v36;
	v0 =	vor.u32 v51, v41;
	v28 =	vor.u32 v2, v41;
	v2 =	vld [tilespmem:$0x1FF30]  }
0x40: {  	v7 =	vor.u32 v48, v39;
	[tilespmem:$0x1FEA0] =	vst v0;
	v21 =	vadd.f32 v21, v59  }
0x41: {  	s23 =	simm.s32 $0x4;
	v12 =	vor.u32 v48, v36;
	[tilespmem:v22+s17+$0x0] =	vst.idx.msk $0xffff, v10;
	v5 =	vadd.f32 v5, v56  }
0x42: {  	s28 =	sand.u32 $0xC, s23;
	[tilespmem:v24+s17+$0x0] =	vst.idx.msk $0xffff, v21  }
0x43: {  	s29 =	sor.u32 $0x1, s28;
	v8 =	vld.idx.msk [tilespmem:v8+s14+$0x0], $0xffff;
	[tilespmem:v9+s17+$0x0] =	vst.idx.msk $0xffff, v5  }
0x44: {  	v13 =	vor.u32 v32, v41;
	v32 =	vadd.s32 s29, v17;
	v31 =	vor.u32 v2, v39;
	v2 =	vld [tilespmem:$0x1FF10]  }
0x45: {  	s31 =	sand.u32 $0x30, s23;
	v35 =	vand.u32 $0xF, v32;
	v7 =	vld.idx.msk [tilespmem:v7+s14+$0x0], $0xffff  }
0x46: {  	v30 =	vor.u32 v58, v53;
	v35 =	vor.u32 s31, v35;
	v12 =	vld.idx.msk [tilespmem:v12+s14+$0x0], $0xffff  }
0x47: {  	v38 =	vor.u32 v19, v1;
	v21 =	vand.u32 $0x38, v35;
	v24 =	vand.u32 $0x7, v32  }
0x48: {  	v23 =	vor.u32 v19, v49;
	v44 =	vor.u32 v24, v21  }
0x49: {  	v8 =	vadd.f32 v8, v47;
	v2 =	vor.u32 v2, v44  }
0x4a: {  	v13 =	vld.idx.msk [tilespmem:v13+s14+$0x0], $0xffff;
	v7 =	vadd.f32 v7, v59;
	[tilespmem:$0x1FE90] =	vst v2  }
0x4b: {  	v25 =	vor.u32 v50, v49;
	s24 =	sor.u32 $0x3, s28;
	v12 =	vadd.f32 v12, v56;
	[tilespmem:v30+s17+$0x0] =	vst.idx.msk $0xffff, v8  }
0x4c: {  	v33 =	vadd.s32 s28, v17;
	v46 =	vadd.s32 s24, v17;
	v24 =	vshll.u32 v35, $0x7;
	[tilespmem:v38+s17+$0x0] =	vst.idx.msk $0xffff, v7  }
0x4d: {  	v43 =	vand.u32 $0xF, v33;
	v45 =	vand.u32 $0x1C00, v24;
	v24 =	vand.u32 $0xF, v46;
	[tilespmem:v23+s17+$0x0] =	vst.idx.msk $0xffff, v12  }
0x4e: {  	v43 =	vor.u32 s31, v43;
	v14 =	vor.u32 v48, v40;
	v22 =	vor.u32 s31, v24;
	v2 =	vld [tilespmem:$0x1FF10]  }
0x4f: {  	v29 =	vor.u32 v50, v1;
	v10 =	vand.u32 $0x38, v43;
	v8 =	vshll.u32 v22, $0x7  }
0x50: {  	v35 =	vor.u32 v58, v54;
	v7 =	vand.u32 $0x1C00, v8;
	v8 =	vshll.u32 v32, $0x7  }
0x51: {  	v9 =	vmovc v50;
	v50 =	vand.u32 $0x38, v22;
	v22 =	vand.u32 $0x7, v33;
	v8 =	vand.u32 $0x380, v8  }
0x52: {  	v24 =	vor.u32 v22, v10;
	v10 =	vld.idx.msk [tilespmem:v31+s14+$0x0], $0xffff;
	v31 =	vor.u32 v8, v45  }
0x53: {  	v13 =	vadd.f32 v13, v18;
	v14 =	vld.idx.msk [tilespmem:v14+s14+$0x0], $0xffff;
	v12 =	vor.u32 v2, v24;
	v2 =	vor.u32 v17, v31  }
0x54: {  	v11 =	vld.idx.msk [tilespmem:v11+s14+$0x0], $0xffff;
	[tilespmem:$0x1FED0] =	vst v2  }
0x55: {  	[tilespmem:v35+s17+$0x0] =	vst.idx.msk $0xffff, v13  }
0x56: {  	v4 =	vor.u32 v48, v41;
	v2 =	vld [tilespmem:$0x1FF20]  }
0x57: {  	s30 =	sor.u32 $0x2, s28  }
0x58: {  	v34 =	vadd.s32 s30, v17  }
0x59: {  	v37 =	vand.u32 $0xF, v34  }
0x5a: {  	v16 =	vor.u32 v19, v53;
	v42 =	vand.u32 $0x7, v34;
	v37 =	vor.u32 s31, v37;
	[tilespmem:$0x1FDF0] =	vst v57  }
0x5b: {  	v27 =	vor.u32 v19, v54;
	v5 =	vand.u32 $0x38, v37;
	v4 =	vld.idx.msk [tilespmem:v4+s14+$0x0], $0xffff;
	v2 =	vor.u32 v2, v44  }
0x5c: {  	v3 =	vshll.u32 v33, $0x7;
	v30 =	vand.u32 $0x7, v46;
	v38 =	vor.u32 v42, v5;
	[tilespmem:$0x1FF00] =	vst v2;
	v2 =	vld [tilespmem:$0x1FF10]  }
0x5d: {  	v22 =	vor.u32 v30, v50;
	v30 =	vshll.u32 v43, $0x7;
	v50 =	vshll.u32 v37, $0x7  }
0x5e: {  	v32 =	vor.u32 v57, v24;
	v5 =	vand.u32 $0x1C00, v30;
	v30 =	vshll.u32 v34, $0x7  }
0x5f: {  	v33 =	vand.u32 $0x1C00, v50;
	v30 =	vand.u32 $0x380, v30;
	v14 =	vadd.f32 v14, v47  }
0x60: {  	v0 =	vor.u32 v57, v44;
	v33 =	vor.u32 v30, v33;
	v4 =	vadd.f32 v4, v18  }
0x61: {  	v30 =	vld [tilespmem:$0x1FF10];
	[tilespmem:v16+s17+$0x0] =	vst.idx.msk $0xffff, v14;
	v42 =	vor.u32 v2, v38;
	v2 =	vor.u32 v52, v40  }
0x62: {  	v8 =	vor.u32 v57, v22;
	v13 =	vor.u32 v57, v38;
	v57 =	vand.u32 $0x380, v3;
	v3 =	vld [tilespmem:$0x1FF20];
	[tilespmem:$0x1FEF0] =	vst v2  }
0x63: {  	[tilespmem:v27+s17+$0x0] =	vst.idx.msk $0xffff, v4;
	v27 =	vld.idx.msk [tilespmem:v32+s12+$0x0], $0xffff  }
0x64: {  	v32 =	vld [tilespmem:$0x1FF20];
	_ =	sdelay $0x2  }
0x65: {  	v35 =	vor.u32 v57, v5;
	v5 =	vshll.u32 v46, $0x7  }
0x66: {  	v10 =	vadd.f32 v10, v59;
	v5 =	vand.u32 $0x380, v5;
	v2 =	vor.u32 v48, v44;
	v12 =	vld.idx.msk [tilespmem:v12+s14+$0x0], $0xffff  }
0x67: {  	v37 =	vor.u32 v5, v7;
	v7 =	vld.idx.msk [tilespmem:v26+s14+$0x0], $0xffff;
	[tilespmem:$0x1FE00] =	vst v2;
	v2 =	vor.u32 v32, v22  }
0x68: {  	v6 =	vor.u32 v51, v36;
	[tilespmem:$0x1FE10] =	vst v2  }
0x69: {  	v2 =	vor.u32 v60, v41;
	[tilespmem:v29+s17+$0x0] =	vst.idx.msk $0xffff, v10  }
0x6a: {  	v11 =	vadd.f32 v11, v56;
	[tilespmem:$0x1FE20] =	vst v2  }
0x6b: {  	v61 =	vor.u32 v51, v39;
	v4 =	vld.idx.msk [tilespmem:v28+s14+$0x0], $0xffff  }
0x6c: {  	v10 =	vor.u32 v9, v53;
	[tilespmem:v25+s17+$0x0] =	vst.idx.msk $0xffff, v11;
	v25 =	vld.idx.msk [tilespmem:v0+s12+$0x0], $0xffff;
	v0 =	vor.u32 v63, v49  }
0x6d: {  	v6 =	vld.idx.msk [tilespmem:v6+s14+$0x0], $0xffff;
	[tilespmem:$0x1FE30] =	vst v0;
	v0 =	vor.u32 v62, v41  }
0x6e: {  	v50 =	vor.u32 v9, v54;
	v43 =	vor.u32 v17, v35;
	[tilespmem:$0x1FE40] =	vst v0;
	v0 =	vor.u32 v63, v54  }
0x6f: {  	v7 =	vadd.f32 v7, v47;
	v2 =	vld.idx.msk [tilespmem:v42+s14+$0x0], $0xffff;
	[tilespmem:$0x1FE50] =	vst v0;
	v0 =	vor.u32 v60, v39  }
0x70: {  	v5 =	vor.u32 v15, v49;
	v42 =	vld.idx.msk [tilespmem:v61+s14+$0x0], $0xffff;
	[tilespmem:$0x1FE60] =	vst v0  }
0x71: {  	v28 =	vld [tilespmem:$0x1FF30];
	v0 =	vadd.f32 v12, v27;
	[tilespmem:v10+s17+$0x0] =	vst.idx.msk $0xffff, v7;
	v7 =	vor.u32 v63, v53  }
0x72: {  	v4 =	vadd.f32 v4, v18;
	[tilespmem:$0x1FE70] =	vst v7  }
0x73: {  	v6 =	vadd.f32 v6, v56;
	[tilespmem:v43+s17+$0x0] =	vst.idx.msk $0xffff, v0  }
0x74: {  	v26 =	vld.idx.msk [tilespmem:v8+s12+$0x0], $0xffff;
	[tilespmem:v50+s17+$0x0] =	vst.idx.msk $0xffff, v4  }
0x75: {  	v4 =	vld [tilespmem:$0x1FE80];
	[tilespmem:v5+s17+$0x0] =	vst.idx.msk $0xffff, v6  }
0x76: {  	v8 =	vld [tilespmem:$0x1FEA0]  }
0x77: {  	v11 =	vor.u32 v30, v22;
	v6 =	vld [tilespmem:$0x1FE90];
	_ =	sdelay $0x1  }
0x78: {  	v23 =	vor.u32 v15, v1;
	v29 =	vld.idx.msk [tilespmem:v13+s12+$0x0], $0xffff;
	_ =	sdelay $0x1  }
0x79: {  	v57 =	vor.u32 v3, v24;
	v3 =	vor.u32 v17, v33  }
0x7a: {  	v7 =	vld.idx.msk [tilespmem:v11+s14+$0x0], $0xffff;
	v5 =	vadd.f32 v42, v59  }
0x7b: {  	v4 =	vld.idx.msk [tilespmem:v4+s14+$0x0], $0xffff  }
0x7c: {  	[tilespmem:v23+s17+$0x0] =	vst.idx.msk $0xffff, v5;
	v10 =	vld.idx.msk [tilespmem:v8+s14+$0x0], $0xffff;
	v8 =	vadd.f32 v2, v29;
	v2 =	vor.u32 v63, v1  }
0x7d: {  	v6 =	vld.idx.msk [tilespmem:v6+s14+$0x0], $0xffff;
	[tilespmem:$0x1FEB0] =	vst v2  }
0x7e: {  	v34 =	vmov v51;
	[tilespmem:v3+s17+$0x0] =	vst.idx.msk $0xffff, v8  }
0x7f: {  	v51 =	vor.u32 v58, v31;
	v16 =	vmovc v58;
	v58 =	vor.u32 v52, v36;
	v0 =	vor.u32 v17, v37;
	v17 =	vld [tilespmem:$0x1FF40]  }
0x80: {  	v45 =	vmov v15;
	v46 =	vor.u32 v52, v39  }
0x81: {  	v11 =	vor.u32 v45, v53  }
0x82: {  	v15 =	vmov v55;
	v14 =	vor.u32 v55, v49;
	v55 =	vor.u32 v19, v31  }
0x83: {  	v19 =	vor.u32 v60, v36;
	v61 =	vor.u32 v60, v40;
	v60 =	vor.u32 v15, v1  }
0x84: {  	v2 =	vor.u32 v34, v44;
	v12 =	vld.idx.msk [tilespmem:v58+s14+$0x0], $0xffff;
	v23 =	vor.u32 v17, v1;
	v1 =	vadd.f32 v4, v47  }
0x85: {  	v58 =	vld.idx.msk [tilespmem:v46+s14+$0x0], $0xffff;
	[tilespmem:$0x1FEC0] =	vst v2  }
0x86: {  	[tilespmem:v11+s17+$0x0] =	vst.idx.msk $0xffff, v1  }
0x87: {  	v3 =	vld [tilespmem:$0x1FED0];
	_ =	sdelay $0x4  }
0x88: {  	v63 =	vor.u32 v45, v54  }
0x89: {  	v4 =	vadd.f32 v6, v25;
	_ =	sdelay $0x1  }
0x8a: {  	v1 =	vadd.f32 v10, v18;
	[tilespmem:v3+s17+$0x0] =	vst.idx.msk $0xffff, v4;
	v3 =	vor.u32 v34, v38  }
0x8b: {  	[tilespmem:$0x1FEE0] =	vst v3  }
0x8c: {  	[tilespmem:v63+s17+$0x0] =	vst.idx.msk $0xffff, v1  }
0x8d: {  	v1 =	vld [tilespmem:$0x1FEF0];
	_ =	sdelay $0x5  }
0x8e: {  	v4 =	vadd.f32 v12, v56;
	_ =	sdelay $0x1  }
0x8f: {  	[tilespmem:v14+s17+$0x0] =	vst.idx.msk $0xffff, v4;
	v63 =	vld.idx.msk [tilespmem:v1+s14+$0x0], $0xffff  }
0x90: {  	v21 =	vor.u32 v32, v38;
	v1 =	vld [tilespmem:$0x1FF00]  }
0x91: {  	v20 =	vmov v62;
	v5 =	vor.u32 v52, v41  }
0x92: {  	v62 =	vor.u32 v48, v24;
	v39 =	vor.u32 v20, v39;
	v43 =	vor.u32 v20, v36  }
0x93: {  	v50 =	vor.u32 v48, v22;
	v36 =	vmovc v56;
	v42 =	vor.u32 v20, v40;
	v40 =	vmovc v59;
	v41 =	vmov v32  }
0x94: {  	v52 =	vmovc v38;
	v45 =	vor.u32 v9, v31;
	v8 =	vadd.f32 v7, v26;
	v7 =	vor.u32 v15, v54  }
0x95: {  	v2 =	vor.u32 v28, v44;
	v6 =	vadd.f32 v58, v59;
	v58 =	vor.u32 v28, v24;
	v13 =	vld.idx.msk [tilespmem:v21+s14+$0x0], $0xffff  }
0x96: {  	v11 =	vor.u32 v16, v33;
	v16 =	vor.u32 v34, v24;
	v10 =	vor.u32 v15, v53;
	v9 =	vld.idx.msk [tilespmem:v5+s14+$0x0], $0xffff  }
0x97: {  	v12 =	vor.u32 v48, v38;
	v56 =	vor.u32 v17, v54;
	[tilespmem:v60+s17+$0x0] =	vst.idx.msk $0xffff, v6;
	v6 =	vld.idx.msk [tilespmem:v19+s14+$0x0], $0xffff  }
0x98: {  	s24 =	sshll.u32 s21, $0xA;
	v3 =	vor.u32 v17, v49;
	v60 =	vor.u32 v28, v22;
	v14 =	vld.idx.msk [tilespmem:v1+s14+$0x0], $0xffff;
	v1 =	vor.u32 v17, v53  }
.LBB2_3:
0x99: {  	v21 =	vld [tilespmem:$0x1FF80]  }
0x9a: {  	v32 =	vld [tilespmem:$0x1FF70]  }
0x9b: {  	v19 =	vld [tilespmem:$0x1FE00];
	_ =	sdelay $0x1  }
0x9c: {  	s23 =	sadd.s32 $0x4, s23;
	v13 =	vadd.f32 v13, v29  }
0x9d: {  	v15 =	vor.u32 v28, v52;
	s25 =	sand.u32 $0xC, s23  }
0x9e: {  	v46 =	vlaneseq.u32;
	s26 =	sor.u32 $0x1, s25;
	v14 =	vadd.f32 v14, v25;
	[tilespmem:v11+s17+$0x0] =	vst.idx.msk $0xffff, v13;
	v59 =	vadd.f32 v63, v47  }
0x9f: {  	v63 =	vmovc v33;
	v4 =	vor.u32 v21, v33;
	v28 =	vor.u32 v32, v33;
	v33 =	vadd.s32 s26, v46  }
0xa0: {  	v49 =	vmov v31;
	v31 =	vld.idx.msk [tilespmem:v57+s14+$0x0], $0xffff;
	s31 =	sand.u32 $0x30, s23;
	v6 =	vadd.f32 v6, v36;
	[tilespmem:v51+s17+$0x0] =	vst.idx.msk $0xffff, v14;
	v11 =	vand.u32 $0xF, v33  }
0xa1: {  	v48 =	vld [tilespmem:$0x1FFA0];
	[tilespmem:v10+s17+$0x0] =	vst.idx.msk $0xffff, v59;
	v10 =	vor.u32 s31, v11  }
0xa2: {  	v17 =	vmov v52;
	v52 =	vld.idx.msk [tilespmem:v19+s14+$0x0], $0xffff;
	[tilespmem:v3+s17+$0x0] =	vst.idx.msk $0xffff, v6;
	v6 =	vshll.u32 v10, $0x7  }
0xa3: {  	v59 =	vand.u32 $0x1C00, v6;
	v6 =	vld [tilespmem:$0x1FE60];
	_ =	sdelay $0x2  }
0xa4: {  	s28 =	sor.u32 $0x2, s25;
	v12 =	vld.idx.msk [tilespmem:v12+s14+$0x0], $0xffff;
	v57 =	vor.u32 v48, v35  }
0xa5: {  	v54 =	vmov v35;
	v35 =	vadd.s32 s28, v46  }
0xa6: {  	v13 =	vand.u32 $0xF, v35  }
0xa7: {  	v31 =	vadd.f32 v31, v27;
	v11 =	vor.u32 s31, v13;
	v13 =	vld.idx.msk [tilespmem:v61+s14+$0x0], $0xffff  }
0xa8: {  	v3 =	vld [tilespmem:$0x1FE20]  }
0xa9: {  	[tilespmem:v57+s17+$0x0] =	vst.idx.msk $0xffff, v31;
	v31 =	vld.idx.msk [tilespmem:v6+s14+$0x0], $0xffff;
	v6 =	vadd.f32 v12, v29;
	_ =	sdelay $0x1  }
0xaa: {  	[tilespmem:v28+s17+$0x0] =	vst.idx.msk $0xffff, v6;
	v6 =	vld [tilespmem:$0x1FE10];
	_ =	sdelay $0x1  }
0xab: {  	v9 =	vadd.f32 v9, v18;
	_ =	sdelay $0x1  }
0xac: {  	v20 =	vadd.s32 s25, v46;
	s25 =	sor.u32 $0x3, s25;
	[tilespmem:v7+s17+$0x0] =	vst.idx.msk $0xffff, v9;
	v7 =	vand.u32 $0x7, v33;
	v14 =	vand.u32 $0x38, v10  }
0xad: {  	v33 =	vshll.u32 v33, $0x7;
	v57 =	vadd.s32 s25, v46;
	v38 =	vld.idx.msk [tilespmem:v3+s14+$0x0], $0xffff;
	v3 =	vor.u32 v7, v14  }
0xae: {  	v7 =	vand.u32 $0xF, v20;
	[tilespmem:v0+s17+$0x0] =	vst.idx.msk $0xffff, v8;
	v0 =	vadd.f32 v13, v47;
	v12 =	vand.u32 $0xF, v57  }
0xaf: {  	v61 =	vld.idx.msk [tilespmem:v62+s14+$0x0], $0xffff;
	v7 =	vor.u32 s31, v7;
	v12 =	vor.u32 s31, v12;
	v31 =	vadd.f32 v31, v40  }
0xb0: {  	v13 =	vand.u32 $0x38, v7;
	[tilespmem:v1+s17+$0x0] =	vst.idx.msk $0xffff, v0;
	v1 =	vand.u32 $0x7, v57;
	v28 =	vld.idx.msk [tilespmem:v6+s14+$0x0], $0xffff;
	v6 =	vand.u32 $0x38, v12  }
0xb1: {  	v0 =	vand.u32 $0x7, v20;
	v15 =	vld.idx.msk [tilespmem:v15+s14+$0x0], $0xffff;
	[tilespmem:v23+s17+$0x0] =	vst.idx.msk $0xffff, v31;
	v31 =	vand.u32 $0x380, v33;
	v6 =	vor.u32 v1, v6  }
0xb2: {  	v1 =	vor.u32 v0, v13;
	v0 =	vshll.u32 v7, $0x7;
	v7 =	vadd.f32 v38, v18  }
0xb3: {  	v31 =	vor.u32 v31, v59  }
0xb4: {  	[tilespmem:v56+s17+$0x0] =	vst.idx.msk $0xffff, v7;
	v7 =	vor.u32 v46, v31  }
0xb5: {  	[tilespmem:$0x1FDE0] =	vst v7;
	v7 =	vld [tilespmem:$0x1FE40];
	_ =	sdelay $0x1  }
0xb6: {  	v53 =	vmov v37;
	v34 =	vld [tilespmem:$0x1FDF0]  }
0xb7: {  	v10 =	vor.u32 v48, v53  }
0xb8: {  	v5 =	vor.u32 v32, v37  }
0xb9: {  	v9 =	vand.u32 $0x7, v35;
	v37 =	vand.u32 $0x38, v11;
	v11 =	vshll.u32 v11, $0x7  }
0xba: {  	[tilespmem:$0x1FDC0] =	vst v16;
	v16 =	vld [tilespmem:$0x1FF90];
	v9 =	vor.u32 v9, v37;
	v62 =	vshll.u32 v35, $0x7;
	v28 =	vadd.f32 v28, v26  }
0xbb: {  	v14 =	vld.idx.msk [tilespmem:v43+s14+$0x0], $0xffff;
	v43 =	vor.u32 v34, v3;
	v13 =	vor.u32 v34, v1;
	v37 =	vor.u32 v34, v6  }
0xbc: {  	v46 =	vor.u32 v34, v9;
	v34 =	vld.idx.msk [tilespmem:v7+s14+$0x0], $0xffff;
	[tilespmem:v10+s17+$0x0] =	vst.idx.msk $0xffff, v28;
	v10 =	vand.u32 $0x1C00, v11;
	v11 =	vand.u32 $0x380, v62  }
0xbd: {  	v33 =	vor.u32 v11, v10;
	v11 =	vld [tilespmem:$0x1FE70]  }
0xbe: {  	v51 =	vor.u32 v32, v54;
	v19 =	vmovc v44;
	v44 =	vshll.u32 v20, $0x7;
	v52 =	vadd.f32 v52, v25;
	v20 =	vld.idx.msk [tilespmem:v42+s14+$0x0], $0xffff  }
0xbf: {  	[tilespmem:$0x1FDB0] =	vst v4  }
0xc0: {  	[tilespmem:v55+s17+$0x0] =	vst.idx.msk $0xffff, v52  }
0xc1: {  	v4 =	vor.u32 v16, v22;
	v61 =	vadd.f32 v61, v27;
	v2 =	vld.idx.msk [tilespmem:v2+s14+$0x0], $0xffff;
	v38 =	vor.u32 v30, v1  }
0xc2: {  	[tilespmem:$0x1FDD0] =	vst v4;
	v42 =	vld.idx.msk [tilespmem:v43+s12+$0x0], $0xffff  }
0xc3: {  	[tilespmem:v51+s17+$0x0] =	vst.idx.msk $0xffff, v61;
	v20 =	vadd.f32 v20, v47;
	v39 =	vld.idx.msk [tilespmem:v39+s14+$0x0], $0xffff;
	v0 =	vand.u32 $0x1C00, v0  }
0xc4: {  	v4 =	vmovc v41;
	v56 =	vor.u32 v41, v3;
	v41 =	vmovc v27;
	v27 =	vand.u32 $0x380, v44;
	v10 =	vadd.f32 v14, v36;
	v14 =	vld [tilespmem:$0x1FE30]  }
0xc5: {  	v35 =	vor.u32 v27, v0;
	v27 =	vld [tilespmem:$0x1FEB0];
	[tilespmem:v11+s17+$0x0] =	vst.idx.msk $0xffff, v20  }
0xc6: {  	v43 =	vld.idx.msk [tilespmem:v38+s14+$0x0], $0xffff  }
0xc7: {  	v2 =	vadd.f32 v2, v25;
	v38 =	vmov v25;
	v25 =	vld [tilespmem:$0x1FE50];
	_ =	sdelay $0x2  }
0xc8: {  	v52 =	vld [tilespmem:$0x1FF60]  }
0xc9: {  	v12 =	vshll.u32 v12, $0x7;
	v0 =	vshll.u32 v57, $0x7  }
0xca: {  	v12 =	vand.u32 $0x1C00, v12;
	v0 =	vand.u32 $0x380, v0;
	[tilespmem:v14+s17+$0x0] =	vst.idx.msk $0xffff, v10;
	v10 =	vadd.f32 v39, v40  }
0xcb: {  	v14 =	vld.idx.msk [tilespmem:v37+s12+$0x0], $0xffff;
	v37 =	vor.u32 v0, v12;
	v0 =	vadd.f32 v34, v18  }
0xcc: {  	v28 =	vld.idx.msk [tilespmem:v50+s14+$0x0], $0xffff;
	[tilespmem:v27+s17+$0x0] =	vst.idx.msk $0xffff, v10  }
0xcd: {  	v34 =	vld [tilespmem:$0x1FFC0];
	[tilespmem:v25+s17+$0x0] =	vst.idx.msk $0xffff, v0;
	v0 =	vor.u32 v52, v3  }
0xce: {  	v10 =	vld.idx.msk [tilespmem:v58+s14+$0x0], $0xffff;
	[tilespmem:$0x1FE00] =	vst v0;
	v0 =	vor.u32 v4, v6  }
0xcf: {  	[tilespmem:$0x1FE10] =	vst v0;
	v0 =	vld [tilespmem:$0x1FDB0]  }
0xd0: {  	v47 =	vld [tilespmem:$0x1FF50]  }
0xd1: {  	v18 =	vadd.f32 v28, v26;
	v27 =	vld.idx.msk [tilespmem:v13+s12+$0x0], $0xffff;
	v13 =	vor.u32 v21, v54  }
0xd2: {  	v55 =	vor.u32 v30, v9;
	v50 =	vmov v26;
	v26 =	vmov v14;
	v14 =	vld [tilespmem:$0x1FEC0]  }
0xd3: {  	v15 =	vadd.f32 v15, v29;
	[tilespmem:v5+s17+$0x0] =	vst.idx.msk $0xffff, v18;
	v18 =	vld [tilespmem:$0x1FEE0]  }
0xd4: {  	v44 =	vld [tilespmem:$0x1FFB0];
	v39 =	vmov v29;
	[tilespmem:v45+s17+$0x0] =	vst.idx.msk $0xffff, v2;
	v29 =	vor.u32 v34, v17;
	v10 =	vadd.f32 v10, v41  }
0xd5: {  	v23 =	vld [tilespmem:$0x1FFE0];
	[tilespmem:$0x1FE60] =	vst v29  }
0xd6: {  	v8 =	vor.u32 v30, v3;
	v57 =	vor.u32 v4, v1;
	v25 =	vmov v42;
	v42 =	vld [tilespmem:$0x1FFD0];
	[tilespmem:v13+s17+$0x0] =	vst.idx.msk $0xffff, v10  }
0xd7: {  	v62 =	vor.u32 v52, v1;
	v5 =	vld.idx.msk [tilespmem:v55+s14+$0x0], $0xffff;
	[tilespmem:v0+s17+$0x0] =	vst.idx.msk $0xffff, v15;
	v0 =	vor.u32 v34, v22  }
0xd8: {  	v61 =	vlaneseq.u32;
	v2 =	vld.idx.msk [tilespmem:v60+s14+$0x0], $0xffff;
	v15 =	vor.u32 v47, v49;
	[tilespmem:$0x1FE20] =	vst v0;
	v0 =	vor.u32 v30, v6  }
0xd9: {  	v11 =	vor.u32 v44, v63;
	v29 =	vor.u32 v47, v54;
	v10 =	vld [tilespmem:$0x1FDC0];
	[tilespmem:$0x1FE30] =	vst v15;
	v15 =	vor.u32 v61, v35  }
0xda: {  	v28 =	vor.u32 v23, v19;
	v40 =	vor.u32 v21, v53;
	[tilespmem:$0x1FE70] =	vst v29;
	v14 =	vld.idx.msk [tilespmem:v14+s14+$0x0], $0xffff  }
0xdb: {  	v29 =	vadd.f32 v43, v27;
	v51 =	vor.u32 v42, v19;
	v43 =	vor.u32 v42, v24;
	v36 =	vld.idx.msk [tilespmem:v18+s14+$0x0], $0xffff  }
0xdc: {  	v18 =	vor.u32 v42, v22;
	v30 =	vor.u32 v34, v19;
	v19 =	vor.u32 v42, v17;
	v42 =	vld [tilespmem:$0x1FF40]  }
0xdd: {  	v20 =	vor.u32 v23, v24;
	v12 =	vor.u32 v44, v49;
	v2 =	vadd.f32 v2, v50;
	v45 =	vld.idx.msk [tilespmem:v0+s14+$0x0], $0xffff  }
0xde: {  	v58 =	vor.u32 v61, v33;
	v0 =	vor.u32 v61, v37;
	[tilespmem:v15+s17+$0x0] =	vst.idx.msk $0xffff, v29;
	v29 =	vld.idx.msk [tilespmem:v46+s12+$0x0], $0xffff  }
0xdf: {  	v61 =	vor.u32 v34, v24;
	[tilespmem:v40+s17+$0x0] =	vst.idx.msk $0xffff, v2;
	v2 =	vor.u32 v47, v63;
	v24 =	vmov v1;
	v1 =	vld [tilespmem:$0x1FDE0]  }
0xe0: {  	v59 =	vor.u32 v23, v17;
	[tilespmem:$0x1FEB0] =	vst v2;
	v2 =	vld [tilespmem:$0x1FDD0]  }
0xe1: {  	v13 =	vadd.f32 v14, v38;
	[tilespmem:$0x1FE40] =	vst v18;
	v18 =	vor.u32 v47, v53;
	v15 =	vld.idx.msk [tilespmem:v8+s14+$0x0], $0xffff  }
0xe2: {  	v7 =	vor.u32 v48, v31;
	v4 =	vor.u32 v4, v9;
	[tilespmem:$0x1FE50] =	vst v18;
	v18 =	vld [tilespmem:$0x1FFF0];
	v14 =	vadd.f32 v36, v39  }
0xe3: {  	v55 =	vor.u32 v32, v31;
	v17 =	vor.u32 v44, v53;
	[tilespmem:v12+s17+$0x0] =	vst.idx.msk $0xffff, v13  }
0xe4: {  	v46 =	vor.u32 v52, v6;
	v10 =	vld.idx.msk [tilespmem:v10+s14+$0x0], $0xffff;
	[tilespmem:v11+s17+$0x0] =	vst.idx.msk $0xffff, v14;
	v5 =	vadd.f32 v5, v29  }
0xe5: {  	v34 =	vor.u32 v23, v22;
	v23 =	vor.u32 v42, v63;
	v47 =	vmovc v41;
	v22 =	vmov v6;
	v59 =	vld.idx.msk [tilespmem:v59+s14+$0x0], $0xffff  }
0xe6: {  	v28 =	vld.idx.msk [tilespmem:v28+s14+$0x0], $0xffff;
	v14 =	vor.u32 v44, v54;
	v6 =	vadd.f32 v15, v25;
	[tilespmem:v58+s17+$0x0] =	vst.idx.msk $0xffff, v5  }
0xe7: {  	v12 =	vor.u32 v52, v9;
	v60 =	vor.u32 v18, v49;
	v36 =	vor.u32 v18, v63;
	v13 =	vld.idx.msk [tilespmem:v4+s14+$0x0], $0xffff  }
0xe8: {  	v52 =	vmov v9;
	v44 =	vmov v3;
	[tilespmem:v1+s17+$0x0] =	vst.idx.msk $0xffff, v6;
	v32 =	vld.idx.msk [tilespmem:v2+s14+$0x0], $0xffff;
	v2 =	vor.u32 v16, v3  }
0xe9: {  	v11 =	vor.u32 v48, v33;
	v3 =	vadd.f32 v10, v41;
	v10 =	vor.u32 v16, v9;
	v41 =	vld [tilespmem:$0x1FF20];
	[tilespmem:$0x1FEC0] =	vst v2  }
0xea: {  	v8 =	vadd.f32 v45, v26;
	v45 =	vor.u32 v21, v31;
	v5 =	vadd.f32 v59, v39;
	v2 =	vld [tilespmem:$0x1FF30];
	[tilespmem:$0x1FEE0] =	vst v10  }
0xeb: {  	p0 =	slt.u32 s23, $0x3C;
	v40 =	vmov v39;
	v1 =	vor.u32 v42, v54;
	[tilespmem:v14+s17+$0x0] =	vst.idx.msk $0xffff, v3;
	v3 =	vadd.f32 v28, v38;
	v28 =	vld [tilespmem:$0x1FF30]  }
.Ltmp0:
0xec: {  	v16 =	vor.u32 v16, v24;
	v10 =	vor.u32 v18, v54;
	[tilespmem:v36+s17+$0x0] =	vst.idx.msk $0xffff, v5;
	v14 =	vld.idx.msk [tilespmem:v56+s14+$0x0], $0xffff;
	(pc) =	sbr.rel @p0 .LBB2_3-.Ltmp0, $4  }
0xed: {  	v39 =	vmov v19;
	v36 =	vmov v38;
	v63 =	vld.idx.msk [tilespmem:v20+s14+$0x0], $0xffff;
	[tilespmem:v60+s17+$0x0] =	vst.idx.msk $0xffff, v3;
	v4 =	vadd.f32 v32, v50  }
0xee: {  	v56 =	vor.u32 v42, v53;
	v3 =	vor.u32 v42, v49;
	v42 =	vmovc v43;
	v43 =	vmov v51;
	v6 =	vld.idx.msk [tilespmem:v30+s14+$0x0], $0xffff  }
0xef: {  	v51 =	vmovc v7;
	v7 =	vor.u32 v18, v53;
	v18 =	vmov v50;
	v30 =	vld [tilespmem:$0x1FF10];
	v50 =	vmov v46;
	[tilespmem:v17+s17+$0x0] =	vst.idx.msk $0xffff, v4  }
0xf0: {  	v2 =	vor.u32 v2, v44;
	v58 =	vor.u32 v28, v24;
	v60 =	vor.u32 v28, v22;
	v9 =	vld.idx.msk [tilespmem:v34+s14+$0x0], $0xffff  }
0xf1: {  	_ =	sdelay $0x3  }
0xf2: {  	v20 =	vld [tilespmem:$0x1FF60];
	[tilespmem:v0+s17+$0x0] =	vst.idx.msk $0xffff, v8  }
0xf3: {  	v48 =	vld [tilespmem:$0x1FFA0];
	_ =	sdelay $0x2  }
0xf4: {  	v4 =	vld.idx.msk [tilespmem:v57+s14+$0x0], $0xffff;
	_ =	sdelay $0x1  }
0xf5: {  	v0 =	vor.u32 v48, v35;
	_ =	sdelay $0x1  }
0xf6: {  	v5 =	vld [tilespmem:$0x1FE10]  }
0xf7: {  	v4 =	vadd.f32 v4, v27  }
0xf8: {  	v14 =	vadd.f32 v14, v25  }
0xf9: {  	[tilespmem:v0+s17+$0x0] =	vst.idx.msk $0xffff, v4;
	v0 =	vadd.f32 v13, v29  }
0xfa: {  	[tilespmem:v51+s17+$0x0] =	vst.idx.msk $0xffff, v14  }
0xfb: {  	[tilespmem:v11+s17+$0x0] =	vst.idx.msk $0xffff, v0  }
0xfc: {  	v0 =	vld [tilespmem:$0x1FE00];
	_ =	sdelay $0x1  }
0xfd: {  	v5 =	vld.idx.msk [tilespmem:v5+s14+$0x0], $0xffff;
	_ =	sdelay $0x1  }
0xfe: {  	v8 =	vor.u32 v48, v37;
	v19 =	vld [tilespmem:$0x1FF70];
	_ =	sdelay $0x2  }
0xff: {  	v4 =	vld.idx.msk [tilespmem:v62+s14+$0x0], $0xffff;
	v5 =	vadd.f32 v5, v26  }
0x100: {  	v0 =	vld.idx.msk [tilespmem:v0+s14+$0x0], $0xffff  }
0x101: {  	v11 =	vld.idx.msk [tilespmem:v12+s14+$0x0], $0xffff;
	[tilespmem:v8+s17+$0x0] =	vst.idx.msk $0xffff, v5;
	v12 =	vor.u32 v19, v35  }
0x102: {  	v5 =	vld.idx.msk [tilespmem:v50+s14+$0x0], $0xffff  }
0x103: {  	v8 =	vor.u32 v19, v33  }
0x104: {  	v4 =	vadd.f32 v4, v27;
	v13 =	vor.u32 v19, v37  }
0x105: {  	v0 =	vadd.f32 v0, v25  }
0x106: {  	[tilespmem:v12+s17+$0x0] =	vst.idx.msk $0xffff, v4;
	v4 =	vadd.f32 v11, v29  }
0x107: {  	[tilespmem:v55+s17+$0x0] =	vst.idx.msk $0xffff, v0;
	v0 =	vadd.f32 v5, v26  }
0x108: {  	[tilespmem:v8+s17+$0x0] =	vst.idx.msk $0xffff, v4  }
0x109: {  	[tilespmem:v13+s17+$0x0] =	vst.idx.msk $0xffff, v0  }
0x10a: {  	v14 =	vor.u32 v28, v52;
	v50 =	vld [tilespmem:$0x1FF80];
	_ =	sdelay $0x2  }
0x10b: {  	v5 =	vld.idx.msk [tilespmem:v58+s14+$0x0], $0xffff  }
0x10c: {  	v2 =	vld.idx.msk [tilespmem:v2+s14+$0x0], $0xffff  }
0x10d: {  	v4 =	vld.idx.msk [tilespmem:v14+s14+$0x0], $0xffff;
	v0 =	vor.u32 v50, v35;
	_ =	sdelay $0x1  }
0x10e: {  	v11 =	vor.u32 v50, v33  }
0x10f: {  	v5 =	vadd.f32 v5, v27  }
0x110: {  	v8 =	vld.idx.msk [tilespmem:v60+s14+$0x0], $0xffff;
	v2 =	vadd.f32 v2, v25  }
0x111: {  	v51 =	vld [tilespmem:$0x1FF90];
	[tilespmem:v0+s17+$0x0] =	vst.idx.msk $0xffff, v5;
	v0 =	vadd.f32 v4, v29  }
0x112: {  	v12 =	vor.u32 v50, v37;
	[tilespmem:v45+s17+$0x0] =	vst.idx.msk $0xffff, v2  }
0x113: {  	[tilespmem:v11+s17+$0x0] =	vst.idx.msk $0xffff, v0  }
0x114: {  	v0 =	vld [tilespmem:$0x1FEC0]  }
0x115: {  	v2 =	vadd.f32 v8, v26;
	v8 =	vld [tilespmem:$0x1FEE0]  }
0x116: {  	v13 =	vor.u32 v51, v22  }
0x117: {  	[tilespmem:v12+s17+$0x0] =	vst.idx.msk $0xffff, v2  }
0x118: {  	v32 =	vmov v41;
	v41 =	vld [tilespmem:$0x1FFB0];
	_ =	sdelay $0x1  }
0x119: {  	v4 =	vld.idx.msk [tilespmem:v16+s14+$0x0], $0xffff  }
0x11a: {  	v5 =	vadd.f32 v63, v47;
	v11 =	vld.idx.msk [tilespmem:v13+s14+$0x0], $0xffff  }
0x11b: {  	v0 =	vld.idx.msk [tilespmem:v0+s14+$0x0], $0xffff  }
0x11c: {  	[tilespmem:v10+s17+$0x0] =	vst.idx.msk $0xffff, v5;
	v2 =	vor.u32 v41, v35;
	v8 =	vld.idx.msk [tilespmem:v8+s14+$0x0], $0xffff  }
0x11d: {  	v55 =	vld [tilespmem:$0x1FFE0];
	v10 =	vor.u32 v41, v31  }
0x11e: {  	v9 =	vadd.f32 v9, v18;
	v12 =	vor.u32 v41, v33  }
0x11f: {  	v4 =	vadd.f32 v4, v27;
	v15 =	vor.u32 v41, v37  }
0x120: {  	[tilespmem:v7+s17+$0x0] =	vst.idx.msk $0xffff, v9;
	v0 =	vadd.f32 v0, v25  }
0x121: {  	[tilespmem:v2+s17+$0x0] =	vst.idx.msk $0xffff, v4;
	v4 =	vadd.f32 v8, v29  }
0x122: {  	v5 =	vor.u32 v55, v24;
	[tilespmem:v10+s17+$0x0] =	vst.idx.msk $0xffff, v0;
	v0 =	vadd.f32 v11, v26  }
0x123: {  	v13 =	vor.u32 v55, v44;
	[tilespmem:v12+s17+$0x0] =	vst.idx.msk $0xffff, v4  }
0x124: {  	v14 =	vor.u32 v55, v52;
	v2 =	vld.idx.msk [tilespmem:v61+s14+$0x0], $0xffff;
	[tilespmem:v15+s17+$0x0] =	vst.idx.msk $0xffff, v0  }
0x125: {  	v7 =	vor.u32 v55, v22;
	v62 =	vld [tilespmem:$0x1FFF0];
	_ =	sdelay $0x1  }
0x126: {  	v5 =	vld.idx.msk [tilespmem:v5+s14+$0x0], $0xffff  }
0x127: {  	v6 =	vadd.f32 v6, v36;
	v8 =	vld.idx.msk [tilespmem:v13+s14+$0x0], $0xffff  }
0x128: {  	v4 =	vld.idx.msk [tilespmem:v14+s14+$0x0], $0xffff  }
0x129: {  	v2 =	vadd.f32 v2, v47;
	[tilespmem:v3+s17+$0x0] =	vst.idx.msk $0xffff, v6;
	v7 =	vld.idx.msk [tilespmem:v7+s14+$0x0], $0xffff;
	v0 =	vor.u32 v62, v35  }
0x12a: {  	v60 =	vld [tilespmem:$0x1FFC0];
	v3 =	vor.u32 v62, v31  }
0x12b: {  	v11 =	vld [tilespmem:$0x1FE60];
	[tilespmem:v1+s17+$0x0] =	vst.idx.msk $0xffff, v2;
	v10 =	vor.u32 v62, v33  }
0x12c: {  	v5 =	vadd.f32 v5, v27;
	v1 =	vld [tilespmem:$0x1FE20];
	v13 =	vor.u32 v62, v37  }
0x12d: {  	v8 =	vadd.f32 v8, v25  }
0x12e: {  	[tilespmem:v0+s17+$0x0] =	vst.idx.msk $0xffff, v5;
	v0 =	vadd.f32 v4, v29  }
0x12f: {  	[tilespmem:v3+s17+$0x0] =	vst.idx.msk $0xffff, v8;
	v3 =	vadd.f32 v7, v26  }
0x130: {  	v6 =	vor.u32 v60, v24;
	[tilespmem:v10+s17+$0x0] =	vst.idx.msk $0xffff, v0  }
0x131: {  	v9 =	vor.u32 v60, v44;
	[tilespmem:v13+s17+$0x0] =	vst.idx.msk $0xffff, v3  }
0x132: {  	v2 =	vor.u32 v60, v22;
	v13 =	vld [tilespmem:$0x1FF40]  }
0x133: {  	v12 =	vor.u32 v60, v52;
	v11 =	vld.idx.msk [tilespmem:v11+s14+$0x0], $0xffff  }
0x134: {  	v1 =	vld.idx.msk [tilespmem:v1+s14+$0x0], $0xffff  }
0x135: {  	v4 =	vld.idx.msk [tilespmem:v6+s14+$0x0], $0xffff  }
0x136: {  	v0 =	vld.idx.msk [tilespmem:v9+s14+$0x0], $0xffff  }
0x137: {  	v2 =	vld.idx.msk [tilespmem:v2+s14+$0x0], $0xffff;
	v3 =	vor.u32 v13, v35  }
0x138: {  	v6 =	vld.idx.msk [tilespmem:v12+s14+$0x0], $0xffff;
	v5 =	vadd.f32 v11, v40;
	v8 =	vor.u32 v13, v31  }
0x139: {  	v1 =	vadd.f32 v1, v18;
	v10 =	vor.u32 v13, v33;
	v13 =	vor.u32 v13, v37  }
0x13a: {  	v63 =	vld [tilespmem:$0x1FFD0];
	[tilespmem:v23+s17+$0x0] =	vst.idx.msk $0xffff, v5;
	v4 =	vadd.f32 v4, v27  }
0x13b: {  	[tilespmem:v56+s17+$0x0] =	vst.idx.msk $0xffff, v1;
	v0 =	vadd.f32 v0, v25  }
0x13c: {  	v2 =	vadd.f32 v2, v26;
	[tilespmem:v3+s17+$0x0] =	vst.idx.msk $0xffff, v4  }
0x13d: {  	v4 =	vadd.f32 v6, v29;
	v3 =	vld [tilespmem:$0x1FE40];
	[tilespmem:v8+s17+$0x0] =	vst.idx.msk $0xffff, v0  }
0x13e: {  	[tilespmem:v13+s17+$0x0] =	vst.idx.msk $0xffff, v2  }
0x13f: {  	[tilespmem:v10+s17+$0x0] =	vst.idx.msk $0xffff, v4  }
0x140: {  	v8 =	vld [tilespmem:$0x1FE70]  }
0x141: {  	v9 =	vld.idx.msk [tilespmem:v42+s14+$0x0], $0xffff;
	_ =	sdelay $0x4  }
0x142: {  	v4 =	vadd.f32 v9, v47;
	_ =	sdelay $0x1  }
0x143: {  	v9 =	vld [tilespmem:$0x1FF50];
	[tilespmem:v8+s17+$0x0] =	vst.idx.msk $0xffff, v4  }
0x144: {  	v10 =	vld [tilespmem:$0x1FE30]  }
0x145: {  	v11 =	vld.idx.msk [tilespmem:v43+s14+$0x0], $0xffff;
	_ =	sdelay $0x4  }
0x146: {  	v2 =	vadd.f32 v11, v36;
	_ =	sdelay $0x1  }
0x147: {  	[tilespmem:v10+s17+$0x0] =	vst.idx.msk $0xffff, v2  }
0x148: {  	v10 =	vld [tilespmem:$0x1FEB0]  }
0x149: {  	v1 =	vld.idx.msk [tilespmem:v39+s14+$0x0], $0xffff;
	_ =	sdelay $0x2  }
0x14a: {  	v3 =	vld.idx.msk [tilespmem:v3+s14+$0x0], $0xffff;
	_ =	sdelay $0x1  }
0x14b: {  	v7 =	vor.u32 v63, v24;
	v1 =	vadd.f32 v1, v40  }
0x14c: {  	v5 =	vor.u32 v63, v44;
	v12 =	vor.u32 v63, v52;
	v14 =	vor.u32 v63, v22  }
0x14d: {  	v6 =	vor.u32 v9, v35;
	v4 =	vor.u32 v9, v31;
	[tilespmem:v10+s17+$0x0] =	vst.idx.msk $0xffff, v1  }
0x14e: {  	v2 =	vadd.f32 v3, v18;
	v3 =	vor.u32 v9, v33;
	v1 =	vor.u32 v9, v37;
	v9 =	vld [tilespmem:$0x1FE50];
	_ =	sdelay $0x1  }
0x14f: {  	v0 =	vld.idx.msk [tilespmem:v7+s14+$0x0], $0xffff  }
0x150: {  	v5 =	vld.idx.msk [tilespmem:v5+s14+$0x0], $0xffff  }
0x151: {  	v7 =	vld.idx.msk [tilespmem:v12+s14+$0x0], $0xffff  }
0x152: {  	v8 =	vld.idx.msk [tilespmem:v14+s14+$0x0], $0xffff;
	_ =	sdelay $0x1  }
0x153: {  	v0 =	vadd.f32 v0, v27  }
0x154: {  	[tilespmem:v9+s17+$0x0] =	vst.idx.msk $0xffff, v2;
	v2 =	vadd.f32 v5, v25  }
0x155: {  	s23 =	sshll.u32 s21, $0x13;
	[tilespmem:v6+s17+$0x0] =	vst.idx.msk $0xffff, v0;
	v0 =	vadd.f32 v7, v29  }
0x156: {  	s23 =	sor.u32 s4, s23;
	[tilespmem:v4+s17+$0x0] =	vst.idx.msk $0xffff, v2;
	v2 =	vadd.f32 v8, v26  }
0x157: {  	p0 =	seq.s32 s21, $0x63;
	s23 =	sshrl.u32 s23, $0x3;
	[tilespmem:v3+s17+$0x0] =	vst.idx.msk $0xffff, v0  }
0x158: {  	s28 =	simm.s32 $0x0;
	s25 =	simm.s32 @!p0 $0x6400;
	s23 =	sadd.s32 s1, s23;
	[tilespmem:v1+s17+$0x0] =	vst.idx.msk $0xffff, v2  }
0x159: {  	[hbm4b:s23+s9] =	stream.strided.scatter [tilespmem:s17], [sflag:$0x2], $0x2000, s10, s9, $0x38;
	[tilespmem:$0x11600] =	vst v63  }
0x15a: {  	s29 =	sand.u32 $0xC, s28;
	s23 =	sadd.s32 @!p0 $0x400, s24;
	_ =	swait.ge [sflag:s15], $0x2000  }
0x15b: {  	s30 =	sor.u32 $0x1, s29;
	s23 =	sand.u32 @!p0 $0x3FC00, s23;
	[sflag:s15] =	ssyncset.done $0x0  }
0x15c: {  	v9 =	vlaneseq.u32;
	s24 =	simm.s32 @!p0 $0x80;
	s23 =	sshrl.u32 @!p0 s23, $0x2;
	[sflag:s15] =	ssyncadd.s32 $0xFFFFE000  }
0x15d: {  	v0 =	vadd.s32 s30, v9;
	[tilespmem:s25], [sflag:$0x1] =	stream.indirect.gather @!p0 [hbm4b:s5+s24], $0x40, s23, s24, $0xb8;
	[tilespmem:$0x11600] =	vst v63  }
0x15e: {  	s31 =	sshll.u32 s22, $0x6;
	v2 =	vand.u32 $0xF, v0;
	s23 =	sand.u32 $0x30, s28  }
0x15f: {  	v52 =	vmov s31;
	v2 =	vor.u32 s23, v2  }
0x160: {  	s26 =	sor.u32 $0x2, s29;
	v4 =	vadd.s32 s29, v9;
	v7 =	vand.u32 $0x7, v0;
	v5 =	vand.u32 $0x38, v2  }
0x161: {  	v1 =	vadd.s32 s26, v9;
	v36 =	vor.u32 v7, v5;
	v5 =	vand.u32 $0xF, v4  }
0x162: {  	v11 =	vand.u32 $0x7, v4;
	v3 =	vand.u32 $0xF, v1;
	v5 =	vor.u32 s23, v5  }
0x163: {  	v8 =	vand.u32 $0x7, v1;
	s24 =	sor.u32 $0x3, s29;
	v3 =	vor.u32 s23, v3;
	v10 =	vand.u32 $0x38, v5  }
0x164: {  	p1 =	seq.s32 @!p0 s21, $0x0;
	v9 =	vadd.s32 s24, v9;
	v7 =	vor.u32 v52, v36;
	v40 =	vor.u32 v11, v10  }
0x165: {  	p0 =	por p0, !p1;
	v6 =	vand.u32 $0x38, v3;
	v12 =	vand.u32 $0xF, v9;
	v11 =	vor.u32 v30, v40  }
0x166: {  	_ =	swait.ge @p0 [sflag:s19], $0x2000;
	v39 =	vor.u32 v8, v6;
	v10 =	vor.u32 s23, v12;
	v13 =	vor.u32 v52, v40  }
0x167: {  	[sflag:s19] =	ssyncset.done @p0 $0x0;
	v8 =	vand.u32 $0x7, v9;
	v14 =	vor.u32 v30, v39;
	v6 =	vand.u32 $0x38, v10  }
0x168: {  	v18 =	vmov v41;
	[sflag:s19] =	ssyncadd.s32 @p0 $0xFFFFE000;
	v41 =	vor.u32 v8, v6;
	v6 =	vor.u32 v52, v39  }
0x169: {  	v58 =	vlaneseq.u32;
	v10 =	vshll.u32 v10, $0x7;
	v17 =	vld.idx.msk [tilespmem:v7+s12+$0x0], $0xffff;
	v7 =	vor.u32 v52, v41  }
0x16a: {  	v1 =	vshll.u32 v1, $0x7;
	v12 =	vor.u32 v30, v36;
	v8 =	vand.u32 $0x1C00, v10;
	v10 =	vld.idx.msk [tilespmem:v11+s16+$0x0], $0xffff  }
0x16b: {  	v0 =	vshll.u32 v0, $0x7;
	v1 =	vand.u32 $0x380, v1;
	v2 =	vshll.u32 v2, $0x7;
	v38 =	vld.idx.msk [tilespmem:v13+s12+$0x0], $0xffff  }
0x16c: {  	v3 =	vshll.u32 v3, $0x7;
	v4 =	vshll.u32 v4, $0x7;
	v5 =	vshll.u32 v5, $0x7;
	v11 =	vld.idx.msk [tilespmem:v14+s16+$0x0], $0xffff  }
0x16d: {  	v3 =	vand.u32 $0x1C00, v3;
	v4 =	vand.u32 $0x380, v4;
	v5 =	vand.u32 $0x1C00, v5;
	v56 =	vld.idx.msk [tilespmem:v6+s12+$0x0], $0xffff  }
0x16e: {  	v16 =	vor.u32 v1, v3;
	v3 =	vshll.u32 v9, $0x7;
	v53 =	vor.u32 v4, v5;
	v9 =	vld.idx.msk [tilespmem:v7+s12+$0x0], $0xffff  }
0x16f: {  	v0 =	vand.u32 $0x380, v0;
	v2 =	vand.u32 $0x1C00, v2;
	v4 =	vor.u32 v58, v53;
	v7 =	vld.idx.msk [tilespmem:v12+s16+$0x0], $0xffff  }
0x170: {  	v49 =	vor.u32 v0, v2;
	v6 =	vor.u32 v58, v16  }
0x171: {  	v2 =	vor.u32 v58, v49  }
0x172: {  	v3 =	vand.u32 $0x380, v3;
	v10 =	vadd.f32 v10, v38  }
0x173: {  	v54 =	vor.u32 v3, v8;
	v3 =	vor.u32 v32, v39;
	v11 =	vadd.f32 v11, v56  }
0x174: {  	v5 =	vor.u32 v32, v36;
	[tilespmem:v4+s18+$0x0] =	vst.idx.msk $0xffff, v10;
	v7 =	vadd.f32 v7, v17  }
0x175: {  	v0 =	vor.u32 v30, v41;
	[tilespmem:v6+s18+$0x0] =	vst.idx.msk $0xffff, v11  }
0x176: {  	[tilespmem:v2+s18+$0x0] =	vst.idx.msk $0xffff, v7  }
0x177: {  	v2 =	vld [tilespmem:$0x1FF30]  }
0x178: {  	v21 =	vld.idx.msk [tilespmem:v3+s16+$0x0], $0xffff  }
0x179: {  	v5 =	vld.idx.msk [tilespmem:v5+s16+$0x0], $0xffff  }
0x17a: {  	v1 =	vor.u32 v48, v49;
	v23 =	vor.u32 v48, v16;
	v0 =	vld.idx.msk [tilespmem:v0+s16+$0x0], $0xffff  }
0x17b: {  	v26 =	vor.u32 v28, v40;
	v8 =	vor.u32 v32, v40;
	v22 =	vor.u32 v58, v54  }
0x17c: {  	v11 =	vor.u32 v28, v36;
	v28 =	vor.u32 v2, v41;
	v2 =	vor.u32 v51, v41  }
0x17d: {  	v21 =	vadd.f32 v21, v56;
	[tilespmem:$0x1FD60] =	vst v2;
	v2 =	vld [tilespmem:$0x1FF30]  }
0x17e: {  	s23 =	simm.s32 $0x4;
	v7 =	vor.u32 v20, v39;
	v5 =	vadd.f32 v5, v17  }
0x17f: {  	v47 =	vmov v19;
	s28 =	sand.u32 $0xC, s23;
	v12 =	vor.u32 v20, v36;
	v10 =	vadd.f32 v0, v9;
	[tilespmem:v23+s18+$0x0] =	vst.idx.msk $0xffff, v21  }
0x180: {  	v15 =	vor.u32 v47, v49;
	v37 =	vor.u32 v47, v16;
	s29 =	sor.u32 $0x1, s28;
	[tilespmem:v1+s18+$0x0] =	vst.idx.msk $0xffff, v5  }
0x181: {  	v24 =	vor.u32 v48, v53;
	s30 =	sor.u32 $0x2, s28;
	v31 =	vadd.s32 s29, v58;
	v8 =	vld.idx.msk [tilespmem:v8+s16+$0x0], $0xffff;
	[tilespmem:v22+s18+$0x0] =	vst.idx.msk $0xffff, v10  }
0x182: {  	s24 =	sor.u32 $0x3, s28;
	v33 =	vadd.s32 s30, v58;
	v13 =	vor.u32 v32, v41;
	v30 =	vor.u32 v2, v39;
	v2 =	vld [tilespmem:$0x1FF10]  }
0x183: {  	s31 =	sand.u32 $0x30, s23;
	v44 =	vadd.s32 s24, v58;
	v34 =	vand.u32 $0xF, v31;
	v45 =	vand.u32 $0xF, v33;
	v7 =	vld.idx.msk [tilespmem:v7+s16+$0x0], $0xffff  }
0x184: {  	v46 =	vand.u32 $0x7, v31;
	v34 =	vor.u32 s31, v34;
	v32 =	vadd.s32 s28, v58;
	v12 =	vld.idx.msk [tilespmem:v12+s16+$0x0], $0xffff  }
0x185: {  	v35 =	vor.u32 v48, v54;
	v57 =	vand.u32 $0xF, v32;
	v21 =	vand.u32 $0x38, v34  }
0x186: {  	v14 =	vor.u32 v20, v40;
	v42 =	vor.u32 s31, v57;
	v59 =	vor.u32 v46, v21  }
0x187: {  	v23 =	vor.u32 s31, v45;
	v13 =	vld.idx.msk [tilespmem:v13+s16+$0x0], $0xffff;
	v8 =	vadd.f32 v8, v38;
	v2 =	vor.u32 v2, v59  }
0x188: {  	v1 =	vand.u32 $0x7, v33;
	v46 =	vand.u32 $0xF, v44;
	v7 =	vadd.f32 v7, v56;
	[tilespmem:$0x1FD50] =	vst v2  }
0x189: {  	v34 =	vshll.u32 v34, $0x7;
	v22 =	vor.u32 s31, v46;
	v12 =	vadd.f32 v12, v17;
	[tilespmem:v24+s18+$0x0] =	vst.idx.msk $0xffff, v8  }
0x18a: {  	v10 =	vand.u32 $0x38, v42;
	v5 =	vand.u32 $0x38, v23;
	v8 =	vshll.u32 v22, $0x7;
	[tilespmem:v37+s18+$0x0] =	vst.idx.msk $0xffff, v7  }
0x18b: {  	v34 =	vand.u32 $0x1C00, v34;
	[tilespmem:v15+s18+$0x0] =	vst.idx.msk $0xffff, v12;
	v7 =	vand.u32 $0x1C00, v8;
	v8 =	vshll.u32 v31, $0x7  }
0x18c: {  	v57 =	vand.u32 $0x38, v22;
	v13 =	vadd.f32 v13, v9;
	v2 =	vld [tilespmem:$0x1FF10];
	v8 =	vand.u32 $0x380, v8  }
0x18d: {  	v22 =	vand.u32 $0x7, v32;
	v15 =	vshll.u32 v23, $0x7;
	v14 =	vld.idx.msk [tilespmem:v14+s16+$0x0], $0xffff;
	v31 =	vor.u32 v8, v34  }
0x18e: {  	v23 =	vor.u32 v1, v5;
	v24 =	vor.u32 v22, v10;
	v10 =	vld.idx.msk [tilespmem:v30+s16+$0x0], $0xffff;
	v1 =	vor.u32 v58, v31  }
0x18f: {  	v4 =	vor.u32 v20, v41;
	v11 =	vld.idx.msk [tilespmem:v11+s16+$0x0], $0xffff;
	[tilespmem:$0x1FD80] =	vst v1  }
0x190: {  	[tilespmem:v35+s18+$0x0] =	vst.idx.msk $0xffff, v13  }
0x191: {  	v12 =	vor.u32 v2, v24;
	v2 =	vld [tilespmem:$0x1FF20];
	_ =	sdelay $0x1  }
0x192: {  	v27 =	vor.u32 v47, v54;
	v3 =	vor.u32 v47, v53;
	[tilespmem:$0x1FCA0] =	vst v52  }
0x193: {  	v45 =	vshll.u32 v32, $0x7;
	v30 =	vshll.u32 v42, $0x7;
	v15 =	vand.u32 $0x1C00, v15;
	v4 =	vld.idx.msk [tilespmem:v4+s16+$0x0], $0xffff  }
0x194: {  	v32 =	vor.u32 v52, v24;
	v5 =	vand.u32 $0x1C00, v30;
	v30 =	vshll.u32 v33, $0x7  }
0x195: {  	v30 =	vand.u32 $0x380, v30;
	v14 =	vadd.f32 v14, v38;
	v1 =	vor.u32 v2, v59  }
0x196: {  	v33 =	vor.u32 v30, v15;
	v15 =	vld [tilespmem:$0x1FF10];
	[tilespmem:$0x1FDA0] =	vst v1  }
0x197: {  	v2 =	vld [tilespmem:$0x1FF10];
	v1 =	vor.u32 v55, v40;
	[tilespmem:v3+s18+$0x0] =	vst.idx.msk $0xffff, v14  }
0x198: {  	v4 =	vadd.f32 v4, v9;
	[tilespmem:$0x1FD90] =	vst v1;
	v3 =	vld [tilespmem:$0x1FF20];
	v1 =	vor.u32 v48, v31  }
0x199: {  	v12 =	vld.idx.msk [tilespmem:v12+s16+$0x0], $0xffff;
	[tilespmem:$0x1FCB0] =	vst v1  }
0x19a: {  	[tilespmem:v27+s18+$0x0] =	vst.idx.msk $0xffff, v4;
	v27 =	vld.idx.msk [tilespmem:v32+s12+$0x0], $0xffff  }
0x19b: {  	v46 =	vand.u32 $0x7, v44;
	v32 =	vld [tilespmem:$0x1FF20]  }
0x19c: {  	v29 =	vor.u32 v50, v16;
	v43 =	vor.u32 v52, v59;
	v22 =	vor.u32 v46, v57  }
0x19d: {  	v8 =	vor.u32 v52, v22;
	v13 =	vor.u32 v52, v23;
	v52 =	vand.u32 $0x380, v45  }
0x19e: {  	v25 =	vor.u32 v50, v49;
	v35 =	vor.u32 v52, v5;
	v5 =	vshll.u32 v44, $0x7  }
0x19f: {  	v10 =	vadd.f32 v10, v56;
	v5 =	vand.u32 $0x380, v5;
	v1 =	vor.u32 v20, v59  }
0x1a0: {  	v37 =	vor.u32 v5, v7;
	v7 =	vld.idx.msk [tilespmem:v26+s16+$0x0], $0xffff;
	[tilespmem:$0x1FCC0] =	vst v1;
	v1 =	vor.u32 v32, v22  }
0x1a1: {  	[tilespmem:$0x1FCD0] =	vst v1  }
0x1a2: {  	v11 =	vadd.f32 v11, v17;
	v1 =	vor.u32 v60, v41;
	[tilespmem:v29+s18+$0x0] =	vst.idx.msk $0xffff, v10  }
0x1a3: {  	[tilespmem:$0x1FCE0] =	vst v1  }
0x1a4: {  	[tilespmem:v25+s18+$0x0] =	vst.idx.msk $0xffff, v11  }
0x1a5: {  	v1 =	vld [tilespmem:$0x1FF50]  }
0x1a6: {  	v6 =	vor.u32 v51, v36;
	_ =	sdelay $0x1  }
0x1a7: {  	v42 =	vor.u32 v2, v23  }
0x1a8: {  	v61 =	vor.u32 v51, v40;
	v0 =	vor.u32 v51, v39;
	v46 =	vor.u32 v18, v16;
	v4 =	vld.idx.msk [tilespmem:v28+s16+$0x0], $0xffff  }
0x1a9: {  	v30 =	vmovc v51;
	v51 =	vmov v18;
	v52 =	vor.u32 v55, v39;
	v25 =	vld.idx.msk [tilespmem:v43+s12+$0x0], $0xffff;
	v2 =	vor.u32 v1, v49  }
0x1aa: {  	v44 =	vmov v55;
	v10 =	vor.u32 v50, v53;
	v6 =	vld.idx.msk [tilespmem:v6+s16+$0x0], $0xffff;
	[tilespmem:$0x1FCF0] =	vst v2;
	v2 =	vor.u32 v63, v41  }
0x1ab: {  	v5 =	vor.u32 v18, v49;
	v18 =	vor.u32 v55, v36;
	v14 =	vor.u32 v1, v54;
	[tilespmem:$0x1FD00] =	vst v2  }
0x1ac: {  	v55 =	vor.u32 v58, v35;
	v57 =	vor.u32 v3, v24;
	v3 =	vmov v50;
	v2 =	vld.idx.msk [tilespmem:v42+s16+$0x0], $0xffff;
	[tilespmem:$0x1FD10] =	vst v14  }
0x1ad: {  	v7 =	vadd.f32 v7, v38;
	v50 =	vor.u32 v50, v54;
	v42 =	vld.idx.msk [tilespmem:v0+s16+$0x0], $0xffff;
	v0 =	vor.u32 v60, v39  }
0x1ae: {  	v11 =	vor.u32 v15, v22;
	[tilespmem:$0x1FD20] =	vst v0  }
0x1af: {  	v28 =	vld [tilespmem:$0x1FF30];
	v0 =	vadd.f32 v12, v27;
	[tilespmem:v10+s18+$0x0] =	vst.idx.msk $0xffff, v7;
	v7 =	vor.u32 v1, v53  }
0x1b0: {  	v4 =	vadd.f32 v4, v9;
	[tilespmem:$0x1FD30] =	vst v7  }
0x1b1: {  	v29 =	vld.idx.msk [tilespmem:v13+s12+$0x0], $0xffff;
	[tilespmem:v55+s18+$0x0] =	vst.idx.msk $0xffff, v0  }
0x1b2: {  	v6 =	vadd.f32 v6, v17;
	v45 =	vld.idx.msk [tilespmem:v8+s12+$0x0], $0xffff;
	[tilespmem:v50+s18+$0x0] =	vst.idx.msk $0xffff, v4;
	v4 =	vor.u32 v20, v22  }
0x1b3: {  	v13 =	vld.idx.msk [tilespmem:v11+s16+$0x0], $0xffff;
	[tilespmem:$0x1FD40] =	vst v4  }
0x1b4: {  	[tilespmem:v5+s18+$0x0] =	vst.idx.msk $0xffff, v6  }
0x1b5: {  	v6 =	vld [tilespmem:$0x1FD50]  }
0x1b6: {  	v7 =	vld [tilespmem:$0x1FD60];
	_ =	sdelay $0x2  }
0x1b7: {  	v4 =	vld.idx.msk [tilespmem:v61+s16+$0x0], $0xffff  }
0x1b8: {  	v19 =	vmov v47;
	v47 =	vmov v63;
	v63 =	vor.u32 v58, v33  }
0x1b9: {  	v10 =	vor.u32 v51, v53;
	v5 =	vadd.f32 v42, v56;
	_ =	sdelay $0x1  }
0x1ba: {  	v1 =	vor.u32 v1, v16;
	[tilespmem:v46+s18+$0x0] =	vst.idx.msk $0xffff, v5;
	v11 =	vadd.f32 v2, v29;
	v6 =	vld.idx.msk [tilespmem:v6+s16+$0x0], $0xffff  }
0x1bb: {  	v8 =	vld.idx.msk [tilespmem:v7+s16+$0x0], $0xffff;
	[tilespmem:$0x1FD70] =	vst v1;
	v1 =	vadd.f32 v4, v38  }
0x1bc: {  	[tilespmem:v63+s18+$0x0] =	vst.idx.msk $0xffff, v11  }
0x1bd: {  	v5 =	vor.u32 v44, v41;
	v44 =	vld [tilespmem:$0x1FF40];
	[tilespmem:v10+s18+$0x0] =	vst.idx.msk $0xffff, v1  }
0x1be: {  	v61 =	vor.u32 v60, v40;
	v42 =	vor.u32 v47, v40;
	v40 =	vor.u32 v3, v31;
	v3 =	vld [tilespmem:$0x1FD80];
	_ =	sdelay $0x1  }
0x1bf: {  	v63 =	vor.u32 v51, v54;
	_ =	sdelay $0x1  }
0x1c0: {  	v0 =	vor.u32 v58, v37;
	v58 =	vmov v38;
	v38 =	vmov v9  }
0x1c1: {  	v1 =	vadd.f32 v8, v38  }
0x1c2: {  	v4 =	vadd.f32 v6, v25  }
0x1c3: {  	[tilespmem:v63+s18+$0x0] =	vst.idx.msk $0xffff, v1  }
0x1c4: {  	[tilespmem:v3+s18+$0x0] =	vst.idx.msk $0xffff, v4  }
0x1c5: {  	v1 =	vld [tilespmem:$0x1FD90]  }
0x1c6: {  	v12 =	vld.idx.msk [tilespmem:v18+s16+$0x0], $0xffff;
	_ =	sdelay $0x1  }
0x1c7: {  	v14 =	vor.u32 v62, v49;
	_ =	sdelay $0x2  }
0x1c8: {  	v4 =	vadd.f32 v12, v17  }
0x1c9: {  	v7 =	vld.idx.msk [tilespmem:v52+s16+$0x0], $0xffff  }
0x1ca: {  	[tilespmem:v14+s18+$0x0] =	vst.idx.msk $0xffff, v4;
	v63 =	vld.idx.msk [tilespmem:v1+s16+$0x0], $0xffff  }
0x1cb: {  	v21 =	vmov v48;
	v26 =	vor.u32 v32, v23;
	v1 =	vld [tilespmem:$0x1FDA0]  }
0x1cc: {  	v34 =	vmovc v62;
	v48 =	vor.u32 v30, v23;
	v43 =	vor.u32 v47, v36;
	v62 =	vor.u32 v20, v24  }
0x1cd: {  	v55 =	vor.u32 v19, v31;
	v19 =	vmovc v15;
	v15 =	vor.u32 v60, v36;
	v60 =	vor.u32 v34, v16  }
0x1ce: {  	v39 =	vor.u32 v47, v39;
	v36 =	vmovc v56;
	v2 =	vor.u32 v28, v59;
	v9 =	vadd.f32 v13, v45  }
0x1cf: {  	v52 =	vor.u32 v30, v59;
	v18 =	vmovc v45;
	v11 =	vor.u32 v21, v33;
	v21 =	vor.u32 v30, v24  }
0x1d0: {  	v45 =	vmovc v59;
	v59 =	vor.u32 v28, v24;
	v13 =	vld.idx.msk [tilespmem:v26+s16+$0x0], $0xffff;
	v26 =	vmov v23;
	v6 =	vadd.f32 v7, v56  }
0x1d1: {  	v10 =	vor.u32 v34, v53;
	v7 =	vor.u32 v34, v54;
	v46 =	vor.u32 v44, v16;
	v8 =	vld.idx.msk [tilespmem:v5+s16+$0x0], $0xffff  }
0x1d2: {  	v56 =	vor.u32 v44, v54;
	v12 =	vor.u32 v20, v23;
	[tilespmem:v60+s18+$0x0] =	vst.idx.msk $0xffff, v6;
	v6 =	vld.idx.msk [tilespmem:v15+s16+$0x0], $0xffff  }
0x1d3: {  	v3 =	vor.u32 v44, v49;
	v60 =	vor.u32 v28, v22;
	v14 =	vld.idx.msk [tilespmem:v1+s16+$0x0], $0xffff;
	v1 =	vor.u32 v44, v53  }
.LBB2_5:
0x1d4: {  	v50 =	vld [tilespmem:$0x1FF80]  }
0x1d5: {  	[tilespmem:$0x1FC70] =	vst v21;
	v21 =	vld [tilespmem:$0x1FF90];
	_ =	sdelay $0x3  }
0x1d6: {  	v4 =	vor.u32 v50, v33  }
0x1d7: {  	[tilespmem:$0x1FC40] =	vst v4;
	v4 =	vor.u32 v21, v22  }
0x1d8: {  	[tilespmem:$0x1FC80] =	vst v4;
	v4 =	vld [tilespmem:$0x1FCB0];
	_ =	sdelay $0x5  }
0x1d9: {  	v14 =	vadd.f32 v14, v25  }
0x1da: {  	v30 =	vld [tilespmem:$0x1FF70]  }
0x1db: {  	[tilespmem:v4+s18+$0x0] =	vst.idx.msk $0xffff, v14;
	v4 =	vld [tilespmem:$0x1FCC0];
	_ =	sdelay $0x1  }
0x1dc: {  	s23 =	sadd.s32 $0x4, s23  }
0x1dd: {  	s24 =	sand.u32 $0xC, s23  }
0x1de: {  	[tilespmem:$0x1FC50] =	vst v52;
	v15 =	vld.idx.msk [tilespmem:v57+s16+$0x0], $0xffff;
	v57 =	vor.u32 v28, v26;
	v41 =	vlaneseq.u32;
	v13 =	vadd.f32 v13, v29;
	s25 =	sor.u32 $0x1, s24  }
0x1df: {  	[tilespmem:$0x1FC60] =	vst v48;
	v47 =	vadd.f32 v63, v58;
	v63 =	vmovc v33;
	v28 =	vor.u32 v30, v33;
	v33 =	vadd.s32 s25, v41  }
0x1e0: {  	s31 =	sand.u32 $0x30, s23;
	[tilespmem:v11+s18+$0x0] =	vst.idx.msk $0xffff, v13;
	v6 =	vadd.f32 v6, v17;
	v11 =	vand.u32 $0xF, v33  }
0x1e1: {  	v48 =	vld [tilespmem:$0x1FFA0];
	[tilespmem:v10+s18+$0x0] =	vst.idx.msk $0xffff, v47;
	v10 =	vor.u32 s31, v11  }
0x1e2: {  	v52 =	vld.idx.msk [tilespmem:v4+s16+$0x0], $0xffff;
	[tilespmem:v3+s18+$0x0] =	vst.idx.msk $0xffff, v6;
	v6 =	vshll.u32 v10, $0x7  }
0x1e3: {  	v16 =	vmov v58;
	v58 =	vand.u32 $0x1C00, v6;
	v6 =	vld [tilespmem:$0x1FD20];
	_ =	sdelay $0x2  }
0x1e4: {  	v49 =	vmov v31;
	s26 =	sor.u32 $0x2, s24;
	v12 =	vld.idx.msk [tilespmem:v12+s16+$0x0], $0xffff;
	v31 =	vor.u32 v48, v35  }
0x1e5: {  	v54 =	vmov v35;
	v35 =	vadd.s32 s26, v41  }
0x1e6: {  	v13 =	vand.u32 $0xF, v35  }
0x1e7: {  	v15 =	vadd.f32 v15, v27;
	v11 =	vor.u32 s31, v13;
	v13 =	vld.idx.msk [tilespmem:v61+s16+$0x0], $0xffff  }
0x1e8: {  	v3 =	vld [tilespmem:$0x1FCE0]  }
0x1e9: {  	[tilespmem:v31+s18+$0x0] =	vst.idx.msk $0xffff, v15;
	v15 =	vld.idx.msk [tilespmem:v6+s16+$0x0], $0xffff;
	v6 =	vadd.f32 v12, v29;
	_ =	sdelay $0x1  }
0x1ea: {  	[tilespmem:v28+s18+$0x0] =	vst.idx.msk $0xffff, v6;
	v6 =	vld [tilespmem:$0x1FCD0]  }
0x1eb: {  	v8 =	vadd.f32 v8, v38;
	_ =	sdelay $0x1  }
0x1ec: {  	v20 =	vadd.s32 s24, v41;
	s24 =	sor.u32 $0x3, s24;
	[tilespmem:v7+s18+$0x0] =	vst.idx.msk $0xffff, v8;
	v7 =	vand.u32 $0x7, v33  }
0x1ed: {  	v61 =	vadd.s32 s24, v41;
	v14 =	vand.u32 $0x38, v10;
	v31 =	vadd.f32 v52, v25  }
0x1ee: {  	v4 =	vmov v38;
	v38 =	vld.idx.msk [tilespmem:v3+s16+$0x0], $0xffff;
	v3 =	vor.u32 v7, v14;
	v7 =	vand.u32 $0xF, v20;
	[tilespmem:v0+s18+$0x0] =	vst.idx.msk $0xffff, v9  }
0x1ef: {  	v14 =	vld.idx.msk [tilespmem:v43+s16+$0x0], $0xffff;
	v0 =	vadd.f32 v13, v16;
	[tilespmem:v55+s18+$0x0] =	vst.idx.msk $0xffff, v31;
	v31 =	vshll.u32 v33, $0x7;
	v12 =	vand.u32 $0xF, v61  }
0x1f0: {  	v62 =	vld.idx.msk [tilespmem:v62+s16+$0x0], $0xffff;
	v7 =	vor.u32 s31, v7;
	v12 =	vor.u32 s31, v12;
	v15 =	vadd.f32 v15, v36  }
0x1f1: {  	v13 =	vand.u32 $0x38, v7;
	[tilespmem:v1+s18+$0x0] =	vst.idx.msk $0xffff, v0;
	v1 =	vand.u32 $0x7, v61;
	v28 =	vld.idx.msk [tilespmem:v6+s16+$0x0], $0xffff;
	v6 =	vand.u32 $0x38, v12  }
0x1f2: {  	v0 =	vand.u32 $0x7, v20;
	v47 =	vld.idx.msk [tilespmem:v57+s16+$0x0], $0xffff;
	[tilespmem:v46+s18+$0x0] =	vst.idx.msk $0xffff, v15;
	v15 =	vand.u32 $0x380, v31;
	v6 =	vor.u32 v1, v6  }
0x1f3: {  	v1 =	vor.u32 v0, v13;
	v0 =	vshll.u32 v7, $0x7;
	v7 =	vadd.f32 v38, v4  }
0x1f4: {  	v31 =	vor.u32 v15, v58  }
0x1f5: {  	[tilespmem:v56+s18+$0x0] =	vst.idx.msk $0xffff, v7;
	v7 =	vor.u32 v41, v31  }
0x1f6: {  	[tilespmem:$0x1FC90] =	vst v7;
	v7 =	vld [tilespmem:$0x1FD00];
	_ =	sdelay $0x1  }
0x1f7: {  	v34 =	vld [tilespmem:$0x1FCA0]  }
0x1f8: {  	v53 =	vmov v37  }
0x1f9: {  	v10 =	vor.u32 v48, v53  }
0x1fa: {  	v5 =	vor.u32 v30, v37;
	v8 =	vand.u32 $0x7, v35;
	v37 =	vand.u32 $0x38, v11  }
0x1fb: {  	v11 =	vshll.u32 v11, $0x7;
	v8 =	vor.u32 v8, v37  }
0x1fc: {  	v43 =	vor.u32 v34, v3;
	v37 =	vld.idx.msk [tilespmem:v39+s16+$0x0], $0xffff;
	v39 =	vor.u32 v34, v8;
	v28 =	vadd.f32 v28, v18  }
0x1fd: {  	v58 =	vshll.u32 v35, $0x7;
	v13 =	vor.u32 v34, v1;
	v15 =	vor.u32 v34, v6;
	v34 =	vld.idx.msk [tilespmem:v7+s16+$0x0], $0xffff  }
0x1fe: {  	[tilespmem:v10+s18+$0x0] =	vst.idx.msk $0xffff, v28;
	v10 =	vand.u32 $0x1C00, v11;
	v11 =	vand.u32 $0x380, v58;
	v7 =	vld [tilespmem:$0x1FD40]  }
0x1ff: {  	v33 =	vor.u32 v11, v10;
	v10 =	vadd.f32 v14, v17;
	v14 =	vld [tilespmem:$0x1FCF0]  }
0x200: {  	v44 =	vshll.u32 v20, $0x7;
	v20 =	vld.idx.msk [tilespmem:v42+s16+$0x0], $0xffff;
	_ =	sdelay $0x3  }
0x201: {  	v52 =	vadd.f32 v62, v27  }
0x202: {  	v2 =	vld.idx.msk [tilespmem:v2+s16+$0x0], $0xffff;
	v20 =	vadd.f32 v20, v16;
	v16 =	vmovc v27;
	v27 =	vand.u32 $0x380, v44;
	v0 =	vand.u32 $0x1C00, v0  }
0x203: {  	v12 =	vshll.u32 v12, $0x7;
	v28 =	vld.idx.msk [tilespmem:v7+s16+$0x0], $0xffff;
	v7 =	vor.u32 v27, v0;
	v0 =	vshll.u32 v61, $0x7  }
0x204: {  	v42 =	vld.idx.msk [tilespmem:v43+s12+$0x0], $0xffff;
	v12 =	vand.u32 $0x1C00, v12;
	v0 =	vand.u32 $0x380, v0;
	[tilespmem:v14+s18+$0x0] =	vst.idx.msk $0xffff, v10  }
0x205: {  	v10 =	vadd.f32 v37, v36;
	v37 =	vor.u32 v0, v12;
	v0 =	vadd.f32 v34, v4;
	v4 =	vld [tilespmem:$0x1FD70];
	_ =	sdelay $0x7  }
0x206: {  	v11 =	vld [tilespmem:$0x1FD30];
	[tilespmem:v4+s18+$0x0] =	vst.idx.msk $0xffff, v10;
	v4 =	vor.u32 v48, v31  }
0x207: {  	[tilespmem:$0x1FCB0] =	vst v4;
	v4 =	vld [tilespmem:$0x1FD10]  }
0x208: {  	v51 =	vor.u32 v30, v54;
	_ =	sdelay $0x1  }
0x209: {  	v17 =	vld [tilespmem:$0x1FF60];
	_ =	sdelay $0x1  }
0x20a: {  	v14 =	vld.idx.msk [tilespmem:v15+s12+$0x0], $0xffff  }
0x20b: {  	[tilespmem:v51+s18+$0x0] =	vst.idx.msk $0xffff, v52  }
0x20c: {  	v46 =	vor.u32 v19, v8;
	[tilespmem:v11+s18+$0x0] =	vst.idx.msk $0xffff, v20  }
0x20d: {  	v57 =	vor.u32 v32, v1;
	v27 =	vld.idx.msk [tilespmem:v13+s12+$0x0], $0xffff;
	[tilespmem:v4+s18+$0x0] =	vst.idx.msk $0xffff, v0;
	v0 =	vor.u32 v17, v3  }
0x20e: {  	v56 =	vor.u32 v32, v3;
	v4 =	vor.u32 v32, v8;
	[tilespmem:$0x1FCC0] =	vst v0;
	v0 =	vor.u32 v32, v6;
	v32 =	vld [tilespmem:$0x1FF50]  }
0x20f: {  	v51 =	vmov v14;
	v14 =	vld [tilespmem:$0x1FC50]  }
0x210: {  	v23 =	vmov v18;
	v18 =	vadd.f32 v28, v18;
	v10 =	vld.idx.msk [tilespmem:v59+s16+$0x0], $0xffff  }
0x211: {  	[tilespmem:$0x1FCD0] =	vst v0;
	v0 =	vld [tilespmem:$0x1FC40]  }
0x212: {  	v38 =	vor.u32 v19, v1;
	v13 =	vor.u32 v50, v54;
	[tilespmem:v5+s18+$0x0] =	vst.idx.msk $0xffff, v18;
	v5 =	vld.idx.msk [tilespmem:v46+s16+$0x0], $0xffff  }
0x213: {  	v46 =	vld [tilespmem:$0x1FFC0];
	v18 =	vor.u32 v32, v49  }
0x214: {  	v2 =	vadd.f32 v2, v25;
	[tilespmem:$0x1FCF0] =	vst v18;
	v18 =	vld [tilespmem:$0x1FC60]  }
0x215: {  	v62 =	vmovc v19;
	v9 =	vor.u32 v19, v3;
	v19 =	vadd.f32 v47, v29;
	v10 =	vadd.f32 v10, v16  }
0x216: {  	v58 =	vld [tilespmem:$0x1FFE0];
	[tilespmem:v40+s18+$0x0] =	vst.idx.msk $0xffff, v2  }
0x217: {  	v43 =	vld.idx.msk [tilespmem:v38+s16+$0x0], $0xffff;
	[tilespmem:v13+s18+$0x0] =	vst.idx.msk $0xffff, v10;
	v10 =	vor.u32 v17, v6  }
0x218: {  	[tilespmem:$0x1FD40] =	vst v10;
	v2 =	vld.idx.msk [tilespmem:v60+s16+$0x0], $0xffff  }
0x219: {  	v52 =	vld [tilespmem:$0x1FFB0];
	[tilespmem:v0+s18+$0x0] =	vst.idx.msk $0xffff, v19;
	v0 =	vor.u32 v46, v22;
	v19 =	vmov v29;
	v29 =	vor.u32 v41, v7  }
0x21a: {  	v40 =	vor.u32 v50, v53;
	v10 =	vld [tilespmem:$0x1FC70];
	[tilespmem:$0x1FCE0] =	vst v0;
	v0 =	vor.u32 v62, v6  }
0x21b: {  	v34 =	vmov v45;
	v38 =	vmov v23;
	v14 =	vld.idx.msk [tilespmem:v14+s16+$0x0], $0xffff  }
0x21c: {  	v28 =	vor.u32 v58, v45;
	v59 =	vadd.f32 v43, v27;
	v45 =	vor.u32 v46, v26;
	v36 =	vld.idx.msk [tilespmem:v18+s16+$0x0], $0xffff  }
0x21d: {  	[tilespmem:$0x1FD20] =	vst v45;
	v2 =	vadd.f32 v2, v38;
	v18 =	vld [tilespmem:$0x1FFD0]  }
0x21e: {  	v47 =	vmov v25;
	v12 =	vor.u32 v52, v49;
	[tilespmem:v29+s18+$0x0] =	vst.idx.msk $0xffff, v59;
	v29 =	vld.idx.msk [tilespmem:v39+s12+$0x0], $0xffff  }
0x21f: {  	v44 =	vor.u32 v41, v33;
	v45 =	vld.idx.msk [tilespmem:v0+s16+$0x0], $0xffff;
	[tilespmem:v40+s18+$0x0] =	vst.idx.msk $0xffff, v2;
	v2 =	vor.u32 v32, v63  }
0x220: {  	v11 =	vor.u32 v52, v63;
	v15 =	vor.u32 v58, v24;
	v55 =	vor.u32 v32, v54;
	[tilespmem:$0x1FD70] =	vst v2;
	v2 =	vld [tilespmem:$0x1FC80]  }
0x221: {  	v20 =	vor.u32 v58, v26;
	v13 =	vadd.f32 v14, v47;
	v61 =	vor.u32 v46, v24;
	[tilespmem:$0x1FD30] =	vst v55;
	v39 =	vld [tilespmem:$0x1FF40]  }
0x222: {  	v55 =	vor.u32 v30, v31;
	v30 =	vor.u32 v46, v34;
	v62 =	vor.u32 v17, v1;
	v10 =	vld.idx.msk [tilespmem:v10+s16+$0x0], $0xffff  }
0x223: {  	v0 =	vor.u32 v41, v37;
	v41 =	vld.idx.msk [tilespmem:v9+s16+$0x0], $0xffff;
	[tilespmem:v12+s18+$0x0] =	vst.idx.msk $0xffff, v13;
	v23 =	vor.u32 v18, v22  }
0x224: {  	v28 =	vld.idx.msk [tilespmem:v28+s16+$0x0], $0xffff;
	v14 =	vadd.f32 v36, v19;
	[tilespmem:$0x1FD00] =	vst v23;
	v23 =	vor.u32 v32, v53  }
0x225: {  	v40 =	vor.u32 v50, v31;
	v43 =	vor.u32 v18, v24;
	v24 =	vmov v1;
	v1 =	vld [tilespmem:$0x1FC90];
	[tilespmem:$0x1FD10] =	vst v23  }
0x226: {  	v25 =	vmov v42;
	v12 =	vor.u32 v17, v8;
	v23 =	vld [tilespmem:$0x1FFF0];
	[tilespmem:v11+s18+$0x0] =	vst.idx.msk $0xffff, v14;
	v14 =	vor.u32 v52, v54  }
0x227: {  	v35 =	vor.u32 v18, v34;
	v42 =	vor.u32 v18, v26;
	v46 =	vor.u32 v39, v63;
	v20 =	vld.idx.msk [tilespmem:v20+s16+$0x0], $0xffff  }
0x228: {  	v17 =	vmovc v47;
	v36 =	vor.u32 v52, v53;
	v5 =	vadd.f32 v5, v29;
	v18 =	vmov v51;
	v59 =	vld.idx.msk [tilespmem:v2+s16+$0x0], $0xffff  }
0x229: {  	v32 =	vor.u32 v58, v22;
	v52 =	vor.u32 v21, v3;
	v11 =	vmovc v3;
	v3 =	vadd.f32 v10, v16;
	v2 =	vld [tilespmem:$0x1FF30]  }
0x22a: {  	v9 =	vadd.f32 v45, v51;
	v22 =	vmov v6;
	v6 =	vadd.f32 v41, v25;
	[tilespmem:v44+s18+$0x0] =	vst.idx.msk $0xffff, v5  }
0x22b: {  	v26 =	vmov v8;
	v60 =	vor.u32 v23, v49;
	[tilespmem:v14+s18+$0x0] =	vst.idx.msk $0xffff, v3;
	v3 =	vadd.f32 v28, v47;
	v28 =	vld [tilespmem:$0x1FF30]  }
0x22c: {  	v58 =	vmovc v16;
	v45 =	vmov v11;
	v13 =	vld.idx.msk [tilespmem:v4+s16+$0x0], $0xffff;
	v34 =	vor.u32 v23, v63;
	v10 =	vor.u32 v23, v54  }
0x22d: {  	p0 =	slt.u32 s23, $0x3C;
	[tilespmem:v1+s18+$0x0] =	vst.idx.msk $0xffff, v6;
	v63 =	vld.idx.msk [tilespmem:v15+s16+$0x0], $0xffff;
	v5 =	vadd.f32 v20, v19;
	v4 =	vadd.f32 v59, v38  }
.Ltmp1:
0x22e: {  	v1 =	vor.u32 v39, v54;
	v14 =	vld.idx.msk [tilespmem:v56+s16+$0x0], $0xffff;
	v56 =	vor.u32 v39, v53;
	v2 =	vor.u32 v2, v11;
	(pc) =	sbr.rel @p0 .LBB2_5-.Ltmp1, $4  }
0x22f: {  	v11 =	vor.u32 v48, v33;
	v48 =	vor.u32 v21, v8;
	[tilespmem:v36+s18+$0x0] =	vst.idx.msk $0xffff, v4;
	v36 =	vmov v19;
	v19 =	vld [tilespmem:$0x1FF10]  }
0x230: {  	v21 =	vor.u32 v21, v24;
	v59 =	vor.u32 v28, v24;
	[tilespmem:v60+s18+$0x0] =	vst.idx.msk $0xffff, v3;
	v8 =	vld.idx.msk [tilespmem:v32+s16+$0x0], $0xffff  }
0x231: {  	v3 =	vor.u32 v39, v49;
	v39 =	vmovc v42;
	v42 =	vmovc v43;
	v43 =	vmov v35;
	v35 =	vmov v7;
	v32 =	vld [tilespmem:$0x1FF20]  }
0x232: {  	v60 =	vor.u32 v28, v22;
	[tilespmem:v34+s18+$0x0] =	vst.idx.msk $0xffff, v5;
	v7 =	vor.u32 v23, v53;
	v6 =	vld.idx.msk [tilespmem:v30+s16+$0x0], $0xffff  }
0x233: {  	_ =	sdelay $0x3  }
0x234: {  	[tilespmem:v0+s18+$0x0] =	vst.idx.msk $0xffff, v9  }
0x235: {  	v16 =	vld [tilespmem:$0x1FFA0];
	_ =	sdelay $0x2  }
0x236: {  	v4 =	vld.idx.msk [tilespmem:v57+s16+$0x0], $0xffff;
	_ =	sdelay $0x1  }
0x237: {  	v53 =	vor.u32 v16, v35  }
0x238: {  	v5 =	vld [tilespmem:$0x1FCD0];
	_ =	sdelay $0x1  }
0x239: {  	v4 =	vadd.f32 v4, v27;
	_ =	sdelay $0x1  }
0x23a: {  	[tilespmem:v53+s18+$0x0] =	vst.idx.msk $0xffff, v4  }
0x23b: {  	v4 =	vld [tilespmem:$0x1FCB0];
	_ =	sdelay $0x2  }
0x23c: {  	v5 =	vld.idx.msk [tilespmem:v5+s16+$0x0], $0xffff;
	_ =	sdelay $0x1  }
0x23d: {  	v57 =	vadd.f32 v13, v29;
	v54 =	vor.u32 v16, v37  }
0x23e: {  	v14 =	vadd.f32 v14, v25  }
0x23f: {  	[tilespmem:v11+s18+$0x0] =	vst.idx.msk $0xffff, v57  }
0x240: {  	v5 =	vadd.f32 v5, v18;
	[tilespmem:v4+s18+$0x0] =	vst.idx.msk $0xffff, v14  }
0x241: {  	v0 =	vld [tilespmem:$0x1FCC0]  }
0x242: {  	v30 =	vmov v19;
	v19 =	vld [tilespmem:$0x1FF70];
	[tilespmem:v54+s18+$0x0] =	vst.idx.msk $0xffff, v5  }
0x243: {  	v5 =	vld [tilespmem:$0x1FD40];
	_ =	sdelay $0x4  }
0x244: {  	v62 =	vld.idx.msk [tilespmem:v62+s16+$0x0], $0xffff  }
0x245: {  	v11 =	vld.idx.msk [tilespmem:v12+s16+$0x0], $0xffff  }
0x246: {  	v12 =	vor.u32 v19, v35;
	v0 =	vld.idx.msk [tilespmem:v0+s16+$0x0], $0xffff  }
0x247: {  	v23 =	vor.u32 v19, v33;
	v5 =	vld.idx.msk [tilespmem:v5+s16+$0x0], $0xffff;
	_ =	sdelay $0x1  }
0x248: {  	v4 =	vadd.f32 v62, v27;
	v13 =	vor.u32 v19, v37  }
0x249: {  	v34 =	vadd.f32 v11, v29  }
0x24a: {  	[tilespmem:v12+s18+$0x0] =	vst.idx.msk $0xffff, v4;
	v0 =	vadd.f32 v0, v25  }
0x24b: {  	[tilespmem:v23+s18+$0x0] =	vst.idx.msk $0xffff, v34;
	v41 =	vadd.f32 v5, v18  }
0x24c: {  	[tilespmem:v55+s18+$0x0] =	vst.idx.msk $0xffff, v0  }
0x24d: {  	v14 =	vor.u32 v28, v26;
	[tilespmem:v13+s18+$0x0] =	vst.idx.msk $0xffff, v41  }
0x24e: {  	v50 =	vld [tilespmem:$0x1FF80];
	_ =	sdelay $0x1  }
0x24f: {  	v2 =	vld.idx.msk [tilespmem:v2+s16+$0x0], $0xffff  }
0x250: {  	v44 =	vld.idx.msk [tilespmem:v59+s16+$0x0], $0xffff  }
0x251: {  	v4 =	vld.idx.msk [tilespmem:v14+s16+$0x0], $0xffff  }
0x252: {  	v54 =	vld.idx.msk [tilespmem:v60+s16+$0x0], $0xffff;
	v47 =	vor.u32 v50, v35  }
0x253: {  	v55 =	vor.u32 v50, v33  }
0x254: {  	v2 =	vadd.f32 v2, v25;
	v12 =	vor.u32 v50, v37  }
0x255: {  	v5 =	vadd.f32 v44, v27  }
0x256: {  	v57 =	vadd.f32 v4, v29;
	v51 =	vld [tilespmem:$0x1FF90];
	[tilespmem:v40+s18+$0x0] =	vst.idx.msk $0xffff, v2  }
0x257: {  	v59 =	vadd.f32 v54, v18;
	[tilespmem:v47+s18+$0x0] =	vst.idx.msk $0xffff, v5  }
0x258: {  	[tilespmem:v55+s18+$0x0] =	vst.idx.msk $0xffff, v57  }
0x259: {  	v62 =	vadd.f32 v63, v58;
	v63 =	vld.idx.msk [tilespmem:v52+s16+$0x0], $0xffff;
	[tilespmem:v12+s18+$0x0] =	vst.idx.msk $0xffff, v59  }
0x25a: {  	v52 =	vld [tilespmem:$0x1FFB0]  }
0x25b: {  	v13 =	vor.u32 v51, v22;
	_ =	sdelay $0x1  }
0x25c: {  	v60 =	vld.idx.msk [tilespmem:v21+s16+$0x0], $0xffff  }
0x25d: {  	v34 =	vld.idx.msk [tilespmem:v48+s16+$0x0], $0xffff;
	[tilespmem:v10+s18+$0x0] =	vst.idx.msk $0xffff, v62  }
0x25e: {  	v20 =	vld [tilespmem:$0x1FFE0];
	v40 =	vor.u32 v52, v35  }
0x25f: {  	v47 =	vld.idx.msk [tilespmem:v13+s16+$0x0], $0xffff;
	v44 =	vor.u32 v52, v31  }
0x260: {  	v8 =	vadd.f32 v8, v38;
	v12 =	vor.u32 v52, v33  }
0x261: {  	v15 =	vor.u32 v52, v37;
	v4 =	vadd.f32 v60, v27  }
0x262: {  	[tilespmem:v7+s18+$0x0] =	vst.idx.msk $0xffff, v8;
	v0 =	vadd.f32 v63, v25  }
0x263: {  	v54 =	vadd.f32 v34, v29;
	v41 =	vor.u32 v20, v24;
	[tilespmem:v40+s18+$0x0] =	vst.idx.msk $0xffff, v4  }
0x264: {  	v55 =	vadd.f32 v47, v18;
	v13 =	vor.u32 v20, v45;
	[tilespmem:v44+s18+$0x0] =	vst.idx.msk $0xffff, v0  }
0x265: {  	[tilespmem:v12+s18+$0x0] =	vst.idx.msk $0xffff, v54  }
0x266: {  	v49 =	vld.idx.msk [tilespmem:v61+s16+$0x0], $0xffff;
	[tilespmem:v15+s18+$0x0] =	vst.idx.msk $0xffff, v55  }
0x267: {  	v6 =	vadd.f32 v6, v17;
	v14 =	vor.u32 v20, v26;
	v55 =	vld [tilespmem:$0x1FFF0]  }
0x268: {  	v48 =	vor.u32 v20, v22;
	v5 =	vld.idx.msk [tilespmem:v41+s16+$0x0], $0xffff  }
0x269: {  	v57 =	vld.idx.msk [tilespmem:v13+s16+$0x0], $0xffff;
	[tilespmem:v3+s18+$0x0] =	vst.idx.msk $0xffff, v6  }
0x26a: {  	v60 =	vld [tilespmem:$0x1FFC0]  }
0x26b: {  	v2 =	vadd.f32 v49, v58;
	v41 =	vld [tilespmem:$0x1FD20]  }
0x26c: {  	v4 =	vld.idx.msk [tilespmem:v14+s16+$0x0], $0xffff;
	v59 =	vor.u32 v55, v35  }
0x26d: {  	v7 =	vld.idx.msk [tilespmem:v48+s16+$0x0], $0xffff;
	[tilespmem:v1+s18+$0x0] =	vst.idx.msk $0xffff, v2;
	v21 =	vor.u32 v55, v31  }
0x26e: {  	v1 =	vld [tilespmem:$0x1FCE0];
	v40 =	vor.u32 v55, v33  }
0x26f: {  	v13 =	vor.u32 v55, v37;
	v5 =	vadd.f32 v5, v27;
	v34 =	vor.u32 v60, v45  }
0x270: {  	v8 =	vadd.f32 v57, v25  }
0x271: {  	v47 =	vadd.f32 v4, v29;
	[tilespmem:v59+s18+$0x0] =	vst.idx.msk $0xffff, v5  }
0x272: {  	v48 =	vadd.f32 v7, v18;
	[tilespmem:v21+s18+$0x0] =	vst.idx.msk $0xffff, v8  }
0x273: {  	v23 =	vor.u32 v60, v24;
	v11 =	vld.idx.msk [tilespmem:v41+s16+$0x0], $0xffff;
	[tilespmem:v40+s18+$0x0] =	vst.idx.msk $0xffff, v47  }
0x274: {  	[tilespmem:v13+s18+$0x0] =	vst.idx.msk $0xffff, v48;
	v53 =	vld.idx.msk [tilespmem:v34+s16+$0x0], $0xffff  }
0x275: {  	v12 =	vor.u32 v60, v26;
	v34 =	vld [tilespmem:$0x1FF40]  }
0x276: {  	v44 =	vor.u32 v60, v22;
	v1 =	vld.idx.msk [tilespmem:v1+s16+$0x0], $0xffff  }
0x277: {  	v62 =	vld [tilespmem:$0x1FFD0]  }
0x278: {  	v49 =	vld.idx.msk [tilespmem:v23+s16+$0x0], $0xffff;
	_ =	sdelay $0x1  }
0x279: {  	v59 =	vld.idx.msk [tilespmem:v12+s16+$0x0], $0xffff;
	v57 =	vor.u32 v34, v35  }
0x27a: {  	v2 =	vld.idx.msk [tilespmem:v44+s16+$0x0], $0xffff;
	v54 =	vadd.f32 v11, v36;
	v63 =	vor.u32 v34, v31  }
0x27b: {  	v1 =	vadd.f32 v1, v38;
	v61 =	vor.u32 v62, v24;
	v24 =	vor.u32 v34, v33  }
0x27c: {  	[tilespmem:v46+s18+$0x0] =	vst.idx.msk $0xffff, v54;
	v13 =	vor.u32 v34, v37;
	v4 =	vadd.f32 v49, v27  }
0x27d: {  	v0 =	vadd.f32 v53, v25;
	[tilespmem:v56+s18+$0x0] =	vst.idx.msk $0xffff, v1  }
0x27e: {  	v21 =	vld.idx.msk [tilespmem:v42+s16+$0x0], $0xffff;
	v42 =	vadd.f32 v59, v29;
	[tilespmem:v57+s18+$0x0] =	vst.idx.msk $0xffff, v4  }
0x27f: {  	v2 =	vadd.f32 v2, v18;
	v3 =	vld [tilespmem:$0x1FD00];
	[tilespmem:v63+s18+$0x0] =	vst.idx.msk $0xffff, v0  }
0x280: {  	[tilespmem:v24+s18+$0x0] =	vst.idx.msk $0xffff, v42  }
0x281: {  	[tilespmem:v13+s18+$0x0] =	vst.idx.msk $0xffff, v2  }
0x282: {  	v8 =	vld [tilespmem:$0x1FD30];
	_ =	sdelay $0x5  }
0x283: {  	v44 =	vadd.f32 v21, v58;
	_ =	sdelay $0x1  }
0x284: {  	v63 =	vld [tilespmem:$0x1FF50];
	[tilespmem:v8+s18+$0x0] =	vst.idx.msk $0xffff, v44  }
0x285: {  	v53 =	vld [tilespmem:$0x1FCF0]  }
0x286: {  	v40 =	vld.idx.msk [tilespmem:v43+s16+$0x0], $0xffff;
	_ =	sdelay $0x4  }
0x287: {  	v23 =	vor.u32 v62, v45;
	v45 =	vadd.f32 v40, v17;
	_ =	sdelay $0x1  }
0x288: {  	[tilespmem:v53+s18+$0x0] =	vst.idx.msk $0xffff, v45  }
0x289: {  	v9 =	vld [tilespmem:$0x1FD70]  }
0x28a: {  	v41 =	vld.idx.msk [tilespmem:v39+s16+$0x0], $0xffff  }
0x28b: {  	v12 =	vor.u32 v62, v26  }
0x28c: {  	v14 =	vor.u32 v62, v22;
	_ =	sdelay $0x1  }
0x28d: {  	v43 =	vld.idx.msk [tilespmem:v61+s16+$0x0], $0xffff  }
0x28e: {  	v1 =	vadd.f32 v41, v36;
	v5 =	vld.idx.msk [tilespmem:v23+s16+$0x0], $0xffff  }
0x28f: {  	v47 =	vld.idx.msk [tilespmem:v12+s16+$0x0], $0xffff  }
0x290: {  	v49 =	vld.idx.msk [tilespmem:v14+s16+$0x0], $0xffff;
	v46 =	vor.u32 v63, v35;
	[tilespmem:v9+s18+$0x0] =	vst.idx.msk $0xffff, v1  }
0x291: {  	v48 =	vor.u32 v63, v31;
	v9 =	vld [tilespmem:$0x1FD10]  }
0x292: {  	v56 =	vor.u32 v63, v33;
	v3 =	vld.idx.msk [tilespmem:v3+s16+$0x0], $0xffff  }
0x293: {  	v0 =	vadd.f32 v43, v27;
	v57 =	vor.u32 v63, v37  }
0x294: {  	s21 =	sadd.s32 $0x1, s21;
	v58 =	vadd.f32 v5, v25  }
0x295: {  	p0 =	sne.s32 s21, $0x64;
	v59 =	vadd.f32 v47, v29;
	[tilespmem:v46+s18+$0x0] =	vst.idx.msk $0xffff, v0  }
.Ltmp2:
0x296: {  	s22 =	sshll.u32 s22, $0x12;
	v61 =	vadd.f32 v49, v18;
	[tilespmem:v48+s18+$0x0] =	vst.idx.msk $0xffff, v58;
	(pc) =	sbr.rel @p0 .LBB2_2-.Ltmp2, $4  }
0x297: {  	s22 =	sor.u32 s4, s22;
	v54 =	vadd.f32 v3, v38;
	[tilespmem:v56+s18+$0x0] =	vst.idx.msk $0xffff, v59  }
0x298: {  	s22 =	sshrl.u32 s22, $0x3;
	[tilespmem:v57+s18+$0x0] =	vst.idx.msk $0xffff, v61  }
0x299: {  	s22 =	sadd.s32 s1, s22;
	[tilespmem:v9+s18+$0x0] =	vst.idx.msk $0xffff, v54  }
0x29a: {  	v15 =	vmov v52;
	v52 =	vmov v20;
	v58 =	vmov v16;
	[hbm4b:s22+s9] =	stream.strided.scatter [tilespmem:s18], [sflag:$0x2], $0x2000, s10, s9, $0x38;
	v48 =	vld [tilespmem:$0x1FF60]  }
0x29b: {  	s20 =	sadd.s32 $0x1, s20  }
0x29c: {  	_ =	swait.ge [sflag:s19], $0x2000;
	p0 =	sne.s32 s20, s8  }
.Ltmp3:
0x29d: {  	[sflag:s19] =	ssyncset.done $0x0;
	(pc) =	sbr.rel @p0 .LBB2_1-.Ltmp3, $4  }
0x29e: {  	[sflag:s19] =	ssyncadd.s32 $0xFFFFE000  }
0x29f: {  	_ =	swait.ge [sflag:s19], $0x2000  }
0x2a0: {  	[sflag:s19] =	ssyncset.done $0x0  }
0x2a1: {  	[sflag:s19] =	ssyncadd.s32 $0xFFFFE000  }
0x2a2: {  	_ =	sfence.sel $0x180000  }
0x2a3: {  	[bflag:$0x0] =	sbarrier.arrive $0xFFFF  }
0x2a4: {  	p0 =	sne.s32 s2, $0x0;
	_ =	strace $0x90000047  }
0x2a5: {  	s0 =	sadd.s32 @!p0 $0x100000, s0;
	[bflag:$0x2] =	sbarrier.arrive $0xFFFF  }
0x2a6: {  	[sflag:s0] =	ssyncadd.tile.s32 @!p0 $0x1;
	_ =	shalt  }
.Lfunc_end2:
_tile_overlayer_lowered:
.L_overlay_start_2:
0x2a7: {  	(tag) =	ssettag $0x2  }
0x2a8: {  	s0 =	rddreg [dreg:$0x0];
	s2 =	stileid.u32  }
0x2a9: {  	s1 =	rddreg [dreg:$0x1];
	p0 =	sne.s32 s2, $0x0  }
0x2aa: {  	s3 =	rddreg [dreg:$0x2];
	[bflag:$0x3] =	sbarrier.arrive $0xFFFF;
	s2 =	simm.s32 @!p0 $0x1C03  }
0x2ab: {  	[timem:s3], [sflag:s2] =	dma.local @!p0 [hbm:s0], s1  }
0x2ac: {  	s0 =	simm.s32 @!p0 $0x3  }
0x2ad: {  	_ =	swait.ge @!p0 [sflag:s0], s1  }
0x2ae: {  	s1 =	ssub.s32 @!p0 $0x0, s1;
	[sflag:s0] =	ssyncset.done @!p0 $0x0  }
0x2af: {  	[sflag:s0] =	ssyncadd.s32 @!p0 s1  }
0x2b0: {  	[bflag:$0x3] =	sbarrier.arrive $0xFFFF  }
0x2b1: {  	_ =	shalt  }

</sc_bundles>
